<compile_context>
chip_gen: v7x
topology: tpu7x:2x2x1
jax: 0.10.2.dev20260603
libtpu: 0.0.44.dev20260713+nightly
codegen_flags: <defaults>
</compile_context>

<pallas_src>
import functools
import jax
import jax.numpy as jnp
from jax import lax
from jax.experimental import pallas as pl
from jax.experimental.pallas import tpu as pltpu, tpu_sc as plsc

N = 10000
E = 320000
NC = 2
NS = 16
CB = 120
IB = 8
RPT = 632
RPT_LAST = N - (NS - 1) * RPT
N_PAD = N + 8


def _nch(ept):
  return -(-(-(-ept // CB)) // IB) * IB


def _copy_rows(src_ref, dst_ref, s):
  @pl.when(s < NS - 1)
  def _():
    pltpu.sync_copy(src_ref.at[pl.ds(s * RPT, RPT)],
                    dst_ref.at[pl.ds(s * RPT, RPT)])

  @pl.when(s == NS - 1)
  def _():
    pltpu.sync_copy(src_ref.at[pl.ds((NS - 1) * RPT, RPT_LAST)],
                    dst_ref.at[pl.ds((NS - 1) * RPT, RPT_LAST)])


def _sc_agg_body(h0, h1, comb_r, out0, out1,
                 idxv0, idxv1, rows0, rows1, rows2, acc,
                 gsem0, gsem1, gsem2, ssem0, ssem1, ssem2, xsem,
                 nch, edge_split):
  c = lax.axis_index("c")
  s = lax.axis_index("s")
  t = c * NS + s if edge_split else s
  nst = nch // IB

  @pl.when(c == 0)
  def _():
    _copy_rows(h0, acc, s)

  @pl.when(c == 1)
  def _():
    _copy_rows(h1, acc, s)

  plsc.subcore_barrier()

  def start_gather(k, iv, buf, sem):
    @pl.when(c == 0)
    def _():
      pltpu.async_copy(h0.at[iv.at[2 * k]], buf, sem)

    @pl.when(c == 1)
    def _():
      pltpu.async_copy(h1.at[iv.at[2 * k]], buf, sem)

  def wait_gather(buf, sem):
    pltpu.make_async_copy(h0.at[pl.ds(0, CB)], buf, sem).wait()

  bufs = ((rows0, gsem0), (rows1, gsem1), (rows2, gsem2))
  ssems = (ssem0, ssem1, ssem2)

  def wait_scatter(b):
    pltpu.make_async_copy(bufs[b][0], acc.at[pl.ds(0, CB)], ssems[b]).wait()

  pltpu.sync_copy(comb_r.at[t, pl.ds(0, 2 * IB)], idxv0)

  def stage_impl(st, iv, niv):
    @pl.when(st > 0)
    def _():
      wait_scatter(0)
      wait_scatter(1)
      wait_scatter(2)
      pltpu.make_async_copy(comb_r.at[t, pl.ds(0, 2 * IB)], iv, xsem).wait()

    @pl.when(st + 1 < nst)
    def _():
      pltpu.async_copy(comb_r.at[t, pl.ds((st + 1) * 2 * IB, 2 * IB)],
                       niv, xsem)

    start_gather(0, iv, *bufs[0])
    start_gather(1, iv, *bufs[1])
    for k in range(IB):
      buf, sem = bufs[k % 3]
      if k + 2 < IB:
        if k >= 1:
          wait_scatter((k + 2) % 3)
        start_gather(k + 2, iv, *bufs[(k + 2) % 3])
      wait_gather(buf, sem)
      pltpu.async_copy(buf, acc.at[iv.at[2 * k + 1]], ssems[k % 3], add=True)

  def stage(st, carry):
    @pl.when(st % 2 == 0)
    def _():
      stage_impl(st, idxv0, idxv1)

    @pl.when(st % 2 == 1)
    def _():
      stage_impl(st, idxv1, idxv0)
    return carry

  lax.fori_loop(0, nst, stage, 0)

  wait_scatter(0)
  wait_scatter(1)
  wait_scatter(2)

  plsc.subcore_barrier()

  @pl.when(c == 0)
  def _():
    _copy_rows(acc, out0, s)

  @pl.when(c == 1)
  def _():
    _copy_rows(acc, out1, s)


@functools.partial(jax.jit, static_argnames=("nch", "edge_split"))
def _sc_agg(h0, h1, comb_r, nch, edge_split):
  mesh = plsc.VectorSubcoreMesh(core_axis_name="c", subcore_axis_name="s",
                                num_cores=NC, num_subcores=NS)
  F = h0.shape[1]
  return pl.kernel(
      functools.partial(_sc_agg_body, nch=nch, edge_split=edge_split),
      out_type=(jax.ShapeDtypeStruct((N, F), jnp.float32),
                jax.ShapeDtypeStruct((N, F), jnp.float32)),
      mesh=mesh,
      scratch_types=[
          pltpu.VMEM((2 * IB, CB), jnp.int32),
          pltpu.VMEM((2 * IB, CB), jnp.int32),
          pltpu.VMEM((CB, F), jnp.float32),
          pltpu.VMEM((CB, F), jnp.float32),
          pltpu.VMEM((CB, F), jnp.float32),
          pltpu.VMEM_SHARED((N_PAD, F), jnp.float32),
          pltpu.SemaphoreType.DMA,
          pltpu.SemaphoreType.DMA,
          pltpu.SemaphoreType.DMA,
          pltpu.SemaphoreType.DMA,
          pltpu.SemaphoreType.DMA,
          pltpu.SemaphoreType.DMA,
          pltpu.SemaphoreType.DMA,
      ],
  )(h0, h1, comb_r)


def _pad_edges(src, dst, parts):
  ept = E // parts
  nch = _nch(ept)
  pad = nch * CB - ept
  src_r = jnp.pad(src.reshape(parts, ept), ((0, 0), (0, pad))
                  ).reshape(parts, nch, CB)
  dst_r = jnp.pad(dst.reshape(parts, ept), ((0, 0), (0, pad)),
                  constant_values=N).reshape(parts, nch, CB)
  comb = jnp.stack([src_r, dst_r], axis=2).reshape(parts, 2 * nch, CB)
  return comb, nch


def _mlp_body0(h0_ref, h1_ref, xm_ref, w1_ref, b1_ref, w2_ref, b2_ref,
               o0_ref, o1_ref):
  g = h0_ref[...] + h1_ref[...] - xm_ref[...]
  h = jnp.dot(g, w1_ref[...], preferred_element_type=jnp.float32)
  h = jnp.maximum(h + b1_ref[...], 0.0)
  h = jnp.dot(h, w2_ref[...], preferred_element_type=jnp.float32)
  h = jnp.maximum(h + b2_ref[...], 0.0)
  half = h.shape[1] // 2
  o0_ref[...] = h[:, :half]
  o1_ref[...] = h[:, half:]


def _mlp_body(h0_ref, h1_ref, w1a_ref, w1b_ref, b1_ref, w2_ref, b2_ref,
              o0_ref, o1_ref):
  h = jnp.dot(h0_ref[...], w1a_ref[...], preferred_element_type=jnp.float32)
  h = h + jnp.dot(h1_ref[...], w1b_ref[...],
                  preferred_element_type=jnp.float32)
  h = jnp.maximum(h + b1_ref[...], 0.0)
  h = jnp.dot(h, w2_ref[...], preferred_element_type=jnp.float32)
  h = jnp.maximum(h + b2_ref[...], 0.0)
  half = h.shape[1] // 2
  o0_ref[...] = h[:, :half]
  o1_ref[...] = h[:, half:]


@functools.partial(jax.jit, static_argnames=("sub_x",))
def _mlp(h0, h1, xm, w1a, w1b, b1, w2, b2, sub_x):
  BN = 1000
  F = h0.shape[1]
  H = w2.shape[0]
  grid = (N // BN,)
  row_spec = pl.BlockSpec((BN, F), lambda i: (i, 0))
  if sub_x:
    body = _mlp_body0
    operands = (h0, h1, xm, w1a, b1, w2, b2)
    in_specs = [row_spec, row_spec, row_spec,
                pl.BlockSpec((F, H), lambda i: (0, 0)),
                pl.BlockSpec((1, H), lambda i: (0, 0)),
                pl.BlockSpec((H, H), lambda i: (0, 0)),
                pl.BlockSpec((1, H), lambda i: (0, 0))]
  else:
    body = _mlp_body
    operands = (h0, h1, w1a, w1b, b1, w2, b2)
    in_specs = [row_spec, row_spec,
                pl.BlockSpec((F, H), lambda i: (0, 0)),
                pl.BlockSpec((F, H), lambda i: (0, 0)),
                pl.BlockSpec((1, H), lambda i: (0, 0)),
                pl.BlockSpec((H, H), lambda i: (0, 0)),
                pl.BlockSpec((1, H), lambda i: (0, 0))]
  return pl.pallas_call(
      body,
      grid=grid,
      in_specs=in_specs,
      out_specs=[
          pl.BlockSpec((BN, H // 2), lambda i: (i, 0)),
          pl.BlockSpec((BN, H // 2), lambda i: (i, 0)),
      ],
      out_shape=[
          jax.ShapeDtypeStruct((N, H // 2), jnp.float32),
          jax.ShapeDtypeStruct((N, H // 2), jnp.float32),
      ],
  )(*operands)


def kernel(x, edge_index, W1_0, b1_0, W2_0, b2_0, W1_1, b1_1, W2_1, b2_1,
           W1_2, b1_2, W2_2, b2_2):
  scale = 1.0 / jnp.sqrt(jnp.float32(1.0 + 1e-5))

  src = edge_index[0].astype(jnp.int32)
  dst = edge_index[1].astype(jnp.int32)
  comb_e, nch_e = _pad_edges(src, dst, NC * NS)
  comb_f, nch_f = _pad_edges(src, dst, NS)

  params = [(W1_0, b1_0, W2_0, b2_0), (W1_1, b1_1, W2_1, b2_1),
            (W1_2, b1_2, W2_2, b2_2)]

  h0 = h1 = x
  for i in range(3):
    W1, b1, W2, b2 = params[i]
    w1s = W1 * scale
    b1s = (b1 * scale).reshape(1, -1)
    w2s = W2 * scale
    b2s = (b2 * scale).reshape(1, -1)
    F = W1.shape[0] if i == 0 else W1.shape[0] // 2
    if i == 0:
      a0, a1 = _sc_agg(h0, h1, comb_e, nch=nch_e, edge_split=True)
      h0, h1 = _mlp(a0, a1, x, w1s, w1s, b1s, w2s, b2s, sub_x=True)
    else:
      a0, a1 = _sc_agg(h0, h1, comb_f, nch=nch_f, edge_split=False)
      h0, h1 = _mlp(a0, a1, None, w1s[:F], w1s[F:], b1s, w2s, b2s,
                    sub_x=False)

  return jnp.concatenate([h0, h1], axis=1)

# --- scband reference (transcript-rebuilt; emitter-appended) ---
"""Pipeline reference for scband-gin-encoder-54786602828342 (READ-ONLY COPY).

The authoritative reference and input builder live on the scoring server;
editing this copy changes nothing except your own understanding.
"""

import jax, jax.numpy as jnp
import numpy as np

N = 10000
E = 320000
D_IN = 128
H = 256
L = 3

def _bn_eval(h):
    # BatchNorm1d in eval mode with default running stats (mean=0, var=1), affine gamma=1, beta=0
    return h / jnp.sqrt(1.0 + 1e-5)

def setup_inputs(seed: int = 0) -> dict:
    key = jax.random.key(seed)
    ks = jax.random.split(key, 20)
    inp = {}
    inp['x'] = jax.random.normal(ks[0], (N, D_IN), dtype=jnp.float32)
    inp['edge_index'] = jax.random.randint(ks[1], (2, E), 0, N, dtype=jnp.int64)
    dims_in = [D_IN, H, H]
    ki = 2
    for i in range(L):
        din = dims_in[i]
        inp[f'W1_{i}'] = jax.random.normal(ks[ki], (din, H), dtype=jnp.float32) / np.sqrt(din); ki += 1
        inp[f'b1_{i}'] = jnp.zeros((H,), dtype=jnp.float32)
        inp[f'W2_{i}'] = jax.random.normal(ks[ki], (H, H), dtype=jnp.float32) / np.sqrt(H); ki += 1
        inp[f'b2_{i}'] = jnp.zeros((H,), dtype=jnp.float32)
    return inp

def _gin_layer(x, src, dst, W1, b1, W2, b2):
    # GINConv with eps=0: MLP((1+eps)*x + sum_{j in N(i)} x_j)
    agg = jnp.zeros((x.shape[0], x.shape[1]), dtype=x.dtype).at[dst].add(x[src])
    h = x + agg
    h = h @ W1 + b1
    h = _bn_eval(h)          # inner MLP BatchNorm1d
    h = jax.nn.relu(h)
    h = h @ W2 + b2
    return h

def reference(x, edge_index, W1_0, b1_0, W2_0, b2_0, W1_1, b1_1, W2_1, b2_1, W1_2, b1_2, W2_2, b2_2):
    src = edge_index[0]
    dst = edge_index[1]
    params = [(W1_0, b1_0, W2_0, b2_0), (W1_1, b1_1, W2_1, b2_1), (W1_2, b1_2, W2_2, b2_2)]
    h = x
    for i in range(L):
        W1, b1, W2, b2 = params[i]
        h = _gin_layer(h, src, dst, W1, b1, W2, b2)
        h = _bn_eval(h)      # outer self.bns[i]
        h = jax.nn.relu(h)   # last_activation=True so applied on all layers
        # dropout is identity in eval mode
    return h

if False:  # reference __main__ guard neutralized (emitter)
    out = reference(**setup_inputs())
    print(out.shape)

if __name__ == "__main__":
    import jax
    _d = setup_inputs()
    print(jax.jit(kernel)(*tuple(_d.values())))

</pallas_src>

<mosaic_0001>
#map = affine_map<(d0, d1) -> (0, 0)>
#map1 = affine_map<(d0, d1) -> (0, 0, 0)>
module attributes {stable_mosaic.version = 14 : i64} {
  func.func @_sc_agg_body(%arg0: i32, %arg1: i32, %arg2: memref<10000x128xf32, #tpu.memory_space<hbm>>, %arg3: memref<10000x128xf32, #tpu.memory_space<hbm>>, %arg4: memref<32x176x120xi32, #tpu.memory_space<hbm>>, %arg5: memref<10000x128xf32, #tpu.memory_space<hbm>>, %arg6: memref<10000x128xf32, #tpu.memory_space<hbm>>, %arg7: memref<16x120xi32, #tpu.memory_space<vmem>>, %arg8: memref<16x120xi32, #tpu.memory_space<vmem>>, %arg9: memref<120x128xf32, #tpu.memory_space<vmem>>, %arg10: memref<120x128xf32, #tpu.memory_space<vmem>>, %arg11: memref<120x128xf32, #tpu.memory_space<vmem>>, %arg12: memref<10008x128xf32, #tpu.memory_space<vmem_shared>>, %arg13: memref<!tpu.dma_semaphore, #tpu.memory_space<semaphore_mem>>, %arg14: memref<!tpu.dma_semaphore, #tpu.memory_space<semaphore_mem>>, %arg15: memref<!tpu.dma_semaphore, #tpu.memory_space<semaphore_mem>>, %arg16: memref<!tpu.dma_semaphore, #tpu.memory_space<semaphore_mem>>, %arg17: memref<!tpu.dma_semaphore, #tpu.memory_space<semaphore_mem>>, %arg18: memref<!tpu.dma_semaphore, #tpu.memory_space<semaphore_mem>>, %arg19: memref<!tpu.dma_semaphore, #tpu.memory_space<semaphore_mem>>) attributes {dimension_semantics = [#tpu.dimension_semantics<core_parallel>, #tpu.dimension_semantics<subcore_parallel>], iteration_bounds = array<i64: 2, 16>, scalar_prefetch = 0 : i64, scratch_operands = 13 : i64, tpu.core_type = #tpu.core_type<sc_vector_subcore>, window_params = [{transform_indices = #map}, {transform_indices = #map}, {transform_indices = #map1}, {transform_indices = #map}, {transform_indices = #map}]} {
    %mul3A = arith.constant 16 : i32
    %mul3A_0 = arith.muli %arg0, %mul3A : i32
    %add3A = arith.addi %mul3A_0, %arg1 : i32
    %eq3A = arith.constant 0 : i32
    %eq3A_1 = arith.cmpi eq, %arg0, %eq3A : i32
    %convert_element_type3A = arith.extui %eq3A_1 : i1 to i32
    %cond3A = arith.constant 0 : i32
    %cond3A_2 = arith.cmpi ne, %convert_element_type3A, %cond3A : i32
    scf.if %cond3A_2 {
      %lt3A = arith.constant 15 : i32
      %lt3A_41 = arith.cmpi slt, %arg1, %lt3A : i32
      %convert_element_type3A_42 = arith.extui %lt3A_41 : i1 to i32
      %cond3A_43 = arith.constant 0 : i32
      %cond3A_44 = arith.cmpi ne, %convert_element_type3A_42, %cond3A_43 : i32
      scf.if %cond3A_44 {
        %mul3A_50 = arith.constant 632 : i32
        %mul3A_51 = arith.muli %arg1, %mul3A_50 : i32
        %mul3A_52 = arith.constant 632 : i32
        %mul3A_53 = arith.muli %arg1, %mul3A_52 : i32
        "tpu.region"() ({
          %run_scoped3A = tpu.sem_alloc : memref<!tpu.dma_semaphore, #tpu.memory_space<semaphore_mem>>
          %dma_start3A = arith.constant 0 : i32
          %dma_start3A_54 = tpu.memref_slice %arg12[%mul3A_53, %dma_start3A] : memref<10008x128xf32, #tpu.memory_space<vmem_shared>> -> memref<632x128xf32, #tpu.memory_space<vmem_shared>>
          %dma_start3A_55 = arith.constant 0 : i32
          %dma_start3A_56 = tpu.memref_slice %arg2[%mul3A_51, %dma_start3A_55] : memref<10000x128xf32, #tpu.memory_space<hbm>> -> memref<632x128xf32, #tpu.memory_space<hbm>>
          tpu.enqueue_dma source(%dma_start3A_56 : memref<632x128xf32, #tpu.memory_space<hbm>>) target(%dma_start3A_54 : memref<632x128xf32, #tpu.memory_space<vmem_shared>>) target_semaphore(%run_scoped3A : memref<!tpu.dma_semaphore, #tpu.memory_space<semaphore_mem>>)
          %dma_wait3A_57 = arith.constant 0 : i32
          %dma_wait3A_58 = tpu.memref_slice %arg12[%mul3A_53, %dma_wait3A_57] : memref<10008x128xf32, #tpu.memory_space<vmem_shared>> -> memref<632x128xf32, #tpu.memory_space<vmem_shared>>
          %dma_wait3A_59 = arith.constant 0 : i32
          %dma_wait3A_60 = tpu.memref_slice %arg2[%mul3A_51, %dma_wait3A_59] : memref<10000x128xf32, #tpu.memory_space<hbm>> -> memref<632x128xf32, #tpu.memory_space<hbm>>
          tpu.wait_dma2 semaphore(%run_scoped3A : memref<!tpu.dma_semaphore, #tpu.memory_space<semaphore_mem>>) src(%dma_wait3A_60 : memref<632x128xf32, #tpu.memory_space<hbm>>) dst(%dma_wait3A_58 : memref<632x128xf32, #tpu.memory_space<vmem_shared>>)
          tpu.yield
        }) : () -> ()
      } else {
      }
      %eq3A_45 = arith.constant 15 : i32
      %eq3A_46 = arith.cmpi eq, %arg1, %eq3A_45 : i32
      %convert_element_type3A_47 = arith.extui %eq3A_46 : i1 to i32
      %cond3A_48 = arith.constant 0 : i32
      %cond3A_49 = arith.cmpi ne, %convert_element_type3A_47, %cond3A_48 : i32
      scf.if %cond3A_49 {
        "tpu.region"() ({
          %run_scoped3A = tpu.sem_alloc : memref<!tpu.dma_semaphore, #tpu.memory_space<semaphore_mem>>
          %dma_start3A = arith.constant 9480 : i32
          %dma_start3A_50 = arith.constant 0 : i32
          %dma_start3A_51 = tpu.memref_slice %arg12[%dma_start3A, %dma_start3A_50] : memref<10008x128xf32, #tpu.memory_space<vmem_shared>> -> memref<520x128xf32, #tpu.memory_space<vmem_shared>>
          %dma_start3A_52 = arith.constant 9480 : i32
          %dma_start3A_53 = arith.constant 0 : i32
          %dma_start3A_54 = tpu.memref_slice %arg2[%dma_start3A_52, %dma_start3A_53] : memref<10000x128xf32, #tpu.memory_space<hbm>> -> memref<520x128xf32, #tpu.memory_space<hbm>>
          tpu.enqueue_dma source(%dma_start3A_54 : memref<520x128xf32, #tpu.memory_space<hbm>>) target(%dma_start3A_51 : memref<520x128xf32, #tpu.memory_space<vmem_shared>>) target_semaphore(%run_scoped3A : memref<!tpu.dma_semaphore, #tpu.memory_space<semaphore_mem>>)
          %dma_wait3A_55 = arith.constant 9480 : i32
          %dma_wait3A_56 = arith.constant 0 : i32
          %dma_wait3A_57 = tpu.memref_slice %arg12[%dma_wait3A_55, %dma_wait3A_56] : memref<10008x128xf32, #tpu.memory_space<vmem_shared>> -> memref<520x128xf32, #tpu.memory_space<vmem_shared>>
          %dma_wait3A_58 = arith.constant 9480 : i32
          %dma_wait3A_59 = arith.constant 0 : i32
          %dma_wait3A_60 = tpu.memref_slice %arg2[%dma_wait3A_58, %dma_wait3A_59] : memref<10000x128xf32, #tpu.memory_space<hbm>> -> memref<520x128xf32, #tpu.memory_space<hbm>>
          tpu.wait_dma2 semaphore(%run_scoped3A : memref<!tpu.dma_semaphore, #tpu.memory_space<semaphore_mem>>) src(%dma_wait3A_60 : memref<520x128xf32, #tpu.memory_space<hbm>>) dst(%dma_wait3A_57 : memref<520x128xf32, #tpu.memory_space<vmem_shared>>)
          tpu.yield
        }) : () -> ()
      } else {
      }
    } else {
    }
    %eq3A_3 = arith.constant 1 : i32
    %eq3A_4 = arith.cmpi eq, %arg0, %eq3A_3 : i32
    %convert_element_type3A_5 = arith.extui %eq3A_4 : i1 to i32
    %cond3A_6 = arith.constant 0 : i32
    %cond3A_7 = arith.cmpi ne, %convert_element_type3A_5, %cond3A_6 : i32
    scf.if %cond3A_7 {
      %lt3A = arith.constant 15 : i32
      %lt3A_41 = arith.cmpi slt, %arg1, %lt3A : i32
      %convert_element_type3A_42 = arith.extui %lt3A_41 : i1 to i32
      %cond3A_43 = arith.constant 0 : i32
      %cond3A_44 = arith.cmpi ne, %convert_element_type3A_42, %cond3A_43 : i32
      scf.if %cond3A_44 {
        %mul3A_50 = arith.constant 632 : i32
        %mul3A_51 = arith.muli %arg1, %mul3A_50 : i32
        %mul3A_52 = arith.constant 632 : i32
        %mul3A_53 = arith.muli %arg1, %mul3A_52 : i32
        "tpu.region"() ({
          %run_scoped3A = tpu.sem_alloc : memref<!tpu.dma_semaphore, #tpu.memory_space<semaphore_mem>>
          %dma_start3A = arith.constant 0 : i32
          %dma_start3A_54 = tpu.memref_slice %arg12[%mul3A_53, %dma_start3A] : memref<10008x128xf32, #tpu.memory_space<vmem_shared>> -> memref<632x128xf32, #tpu.memory_space<vmem_shared>>
          %dma_start3A_55 = arith.constant 0 : i32
          %dma_start3A_56 = tpu.memref_slice %arg3[%mul3A_51, %dma_start3A_55] : memref<10000x128xf32, #tpu.memory_space<hbm>> -> memref<632x128xf32, #tpu.memory_space<hbm>>
          tpu.enqueue_dma source(%dma_start3A_56 : memref<632x128xf32, #tpu.memory_space<hbm>>) target(%dma_start3A_54 : memref<632x128xf32, #tpu.memory_space<vmem_shared>>) target_semaphore(%run_scoped3A : memref<!tpu.dma_semaphore, #tpu.memory_space<semaphore_mem>>)
          %dma_wait3A_57 = arith.constant 0 : i32
          %dma_wait3A_58 = tpu.memref_slice %arg12[%mul3A_53, %dma_wait3A_57] : memref<10008x128xf32, #tpu.memory_space<vmem_shared>> -> memref<632x128xf32, #tpu.memory_space<vmem_shared>>
          %dma_wait3A_59 = arith.constant 0 : i32
          %dma_wait3A_60 = tpu.memref_slice %arg3[%mul3A_51, %dma_wait3A_59] : memref<10000x128xf32, #tpu.memory_space<hbm>> -> memref<632x128xf32, #tpu.memory_space<hbm>>
          tpu.wait_dma2 semaphore(%run_scoped3A : memref<!tpu.dma_semaphore, #tpu.memory_space<semaphore_mem>>) src(%dma_wait3A_60 : memref<632x128xf32, #tpu.memory_space<hbm>>) dst(%dma_wait3A_58 : memref<632x128xf32, #tpu.memory_space<vmem_shared>>)
          tpu.yield
        }) : () -> ()
      } else {
      }
      %eq3A_45 = arith.constant 15 : i32
      %eq3A_46 = arith.cmpi eq, %arg1, %eq3A_45 : i32
      %convert_element_type3A_47 = arith.extui %eq3A_46 : i1 to i32
      %cond3A_48 = arith.constant 0 : i32
      %cond3A_49 = arith.cmpi ne, %convert_element_type3A_47, %cond3A_48 : i32
      scf.if %cond3A_49 {
        "tpu.region"() ({
          %run_scoped3A = tpu.sem_alloc : memref<!tpu.dma_semaphore, #tpu.memory_space<semaphore_mem>>
          %dma_start3A = arith.constant 9480 : i32
          %dma_start3A_50 = arith.constant 0 : i32
          %dma_start3A_51 = tpu.memref_slice %arg12[%dma_start3A, %dma_start3A_50] : memref<10008x128xf32, #tpu.memory_space<vmem_shared>> -> memref<520x128xf32, #tpu.memory_space<vmem_shared>>
          %dma_start3A_52 = arith.constant 9480 : i32
          %dma_start3A_53 = arith.constant 0 : i32
          %dma_start3A_54 = tpu.memref_slice %arg3[%dma_start3A_52, %dma_start3A_53] : memref<10000x128xf32, #tpu.memory_space<hbm>> -> memref<520x128xf32, #tpu.memory_space<hbm>>
          tpu.enqueue_dma source(%dma_start3A_54 : memref<520x128xf32, #tpu.memory_space<hbm>>) target(%dma_start3A_51 : memref<520x128xf32, #tpu.memory_space<vmem_shared>>) target_semaphore(%run_scoped3A : memref<!tpu.dma_semaphore, #tpu.memory_space<semaphore_mem>>)
          %dma_wait3A_55 = arith.constant 9480 : i32
          %dma_wait3A_56 = arith.constant 0 : i32
          %dma_wait3A_57 = tpu.memref_slice %arg12[%dma_wait3A_55, %dma_wait3A_56] : memref<10008x128xf32, #tpu.memory_space<vmem_shared>> -> memref<520x128xf32, #tpu.memory_space<vmem_shared>>
          %dma_wait3A_58 = arith.constant 9480 : i32
          %dma_wait3A_59 = arith.constant 0 : i32
          %dma_wait3A_60 = tpu.memref_slice %arg3[%dma_wait3A_58, %dma_wait3A_59] : memref<10000x128xf32, #tpu.memory_space<hbm>> -> memref<520x128xf32, #tpu.memory_space<hbm>>
          tpu.wait_dma2 semaphore(%run_scoped3A : memref<!tpu.dma_semaphore, #tpu.memory_space<semaphore_mem>>) src(%dma_wait3A_60 : memref<520x128xf32, #tpu.memory_space<hbm>>) dst(%dma_wait3A_57 : memref<520x128xf32, #tpu.memory_space<vmem_shared>>)
          tpu.yield
        }) : () -> ()
      } else {
      }
    } else {
    }
    %barrier3A = arith.constant 0 : index
    tpu.barrier barrier_id(%barrier3A)
    "tpu.region"() ({
      %run_scoped3A = tpu.sem_alloc : memref<!tpu.dma_semaphore, #tpu.memory_space<semaphore_mem>>
      %dma_start3A = arith.constant 0 : i32
      %dma_start3A_41 = arith.constant 0 : i32
      %dma_start3A_42 = tpu.memref_slice %arg4[%add3A, %dma_start3A, %dma_start3A_41] : memref<32x176x120xi32, #tpu.memory_space<hbm>> -> memref<1x16x120xi32, #tpu.memory_space<hbm>>
      %dma_start3A_43 = tpu.memref_squeeze %dma_start3A_42 : memref<1x16x120xi32, #tpu.memory_space<hbm>> -> memref<16x120xi32, #tpu.memory_space<hbm>>
      %dma_start3A_44 = arith.constant 0 : i32
      %dma_start3A_45 = arith.constant 0 : i32
      %dma_start3A_46 = tpu.memref_slice %arg4[%add3A, %dma_start3A_44, %dma_start3A_45] : memref<32x176x120xi32, #tpu.memory_space<hbm>> -> memref<1x16x120xi32, #tpu.memory_space<hbm>>
      %dma_start3A_47 = tpu.memref_squeeze %dma_start3A_46 : memref<1x16x120xi32, #tpu.memory_space<hbm>> -> memref<16x120xi32, #tpu.memory_space<hbm>>
      tpu.enqueue_dma source(%dma_start3A_47 : memref<16x120xi32, #tpu.memory_space<hbm>>) target(%arg7 : memref<16x120xi32, #tpu.memory_space<vmem>>) target_semaphore(%run_scoped3A : memref<!tpu.dma_semaphore, #tpu.memory_space<semaphore_mem>>)
      %dma_wait3A_48 = arith.constant 0 : i32
      %dma_wait3A_49 = arith.constant 0 : i32
      %dma_wait3A_50 = tpu.memref_slice %arg4[%add3A, %dma_wait3A_48, %dma_wait3A_49] : memref<32x176x120xi32, #tpu.memory_space<hbm>> -> memref<1x16x120xi32, #tpu.memory_space<hbm>>
      %dma_wait3A_51 = tpu.memref_squeeze %dma_wait3A_50 : memref<1x16x120xi32, #tpu.memory_space<hbm>> -> memref<16x120xi32, #tpu.memory_space<hbm>>
      %dma_wait3A_52 = arith.constant 0 : i32
      %dma_wait3A_53 = arith.constant 0 : i32
      %dma_wait3A_54 = tpu.memref_slice %arg4[%add3A, %dma_wait3A_52, %dma_wait3A_53] : memref<32x176x120xi32, #tpu.memory_space<hbm>> -> memref<1x16x120xi32, #tpu.memory_space<hbm>>
      %dma_wait3A_55 = tpu.memref_squeeze %dma_wait3A_54 : memref<1x16x120xi32, #tpu.memory_space<hbm>> -> memref<16x120xi32, #tpu.memory_space<hbm>>
      tpu.wait_dma2 semaphore(%run_scoped3A : memref<!tpu.dma_semaphore, #tpu.memory_space<semaphore_mem>>) src(%dma_wait3A_55 : memref<16x120xi32, #tpu.memory_space<hbm>>) dst(%arg7 : memref<16x120xi32, #tpu.memory_space<vmem>>)
      tpu.yield
    }) : () -> ()
    %scan3A = arith.constant 0 : i32
    %scan3A_8 = arith.constant 0 : i32
    %scan3A_9 = arith.constant 11 : i32
    %scan3A_10 = arith.addi %scan3A_8, %scan3A_9 : i32
    %scan3A_11 = arith.constant 1 : i32
    scf.for %scan3A_41 = %scan3A_8 to %scan3A_10 step %scan3A_11  : i32 {
      %jit3A = arith.constant 2 : i32
      %eq3A_42 = arith.constant 0 : i32
      %eq3A_43 = arith.cmpi eq, %jit3A, %eq3A_42 : i32
      %jit3A_44 = arith.constant 1 : i32
      %select_n3A = arith.select %eq3A_43, %jit3A_44, %jit3A : i32
      %rem3A = arith.remsi %scan3A_41, %select_n3A : i32
      %ne3A = arith.constant 0 : i32
      %ne3A_45 = arith.cmpi ne, %rem3A, %ne3A : i32
      %lt3A = arith.constant 0 : i32
      %lt3A_46 = arith.cmpi slt, %rem3A, %lt3A : i32
      %lt3A_47 = arith.constant 0 : i32
      %lt3A_48 = arith.cmpi slt, %select_n3A, %lt3A_47 : i32
      %ne3A_49 = arith.xori %lt3A_46, %lt3A_48 : i1
      %and3A = arith.andi %ne3A_49, %ne3A_45 : i1
      %add3A_50 = arith.addi %rem3A, %select_n3A : i32
      %select_n3A_51 = arith.select %and3A, %add3A_50, %rem3A : i32
      %eq3A_52 = arith.constant 0 : i32
      %eq3A_53 = arith.cmpi eq, %select_n3A_51, %eq3A_52 : i32
      %convert_element_type3A_54 = arith.extui %eq3A_53 : i1 to i32
      %cond3A_55 = arith.constant 0 : i32
      %cond3A_56 = arith.cmpi ne, %convert_element_type3A_54, %cond3A_55 : i32
      scf.if %cond3A_56 {
        %gt3A = arith.constant 0 : i32
        %gt3A_78 = arith.cmpi sgt, %scan3A_41, %gt3A : i32
        %convert_element_type3A_79 = arith.extui %gt3A_78 : i1 to i32
        %cond3A_80 = arith.constant 0 : i32
        %cond3A_81 = arith.cmpi ne, %convert_element_type3A_79, %cond3A_80 : i32
        scf.if %cond3A_81 {
          %dma_wait3A_302 = arith.constant 0 : i32
          %dma_wait3A_303 = arith.constant 0 : i32
          %dma_wait3A_304 = tpu.memref_slice %arg12[%dma_wait3A_302, %dma_wait3A_303] : memref<10008x128xf32, #tpu.memory_space<vmem_shared>> -> memref<120x128xf32, #tpu.memory_space<vmem_shared>>
          %dma_wait3A_305 = arith.constant 0 : i32
          %dma_wait3A_306 = arith.constant 0 : i32
          %dma_wait3A_307 = tpu.memref_slice %arg12[%dma_wait3A_305, %dma_wait3A_306] : memref<10008x128xf32, #tpu.memory_space<vmem_shared>> -> memref<120x128xf32, #tpu.memory_space<vmem_shared>>
          tpu.wait_dma2 semaphore(%arg16 : memref<!tpu.dma_semaphore, #tpu.memory_space<semaphore_mem>>) src(%arg9 : memref<120x128xf32, #tpu.memory_space<vmem>>) dst(%dma_wait3A_307 : memref<120x128xf32, #tpu.memory_space<vmem_shared>>)
          %dma_wait3A_308 = arith.constant 0 : i32
          %dma_wait3A_309 = arith.constant 0 : i32
          %dma_wait3A_310 = tpu.memref_slice %arg12[%dma_wait3A_308, %dma_wait3A_309] : memref<10008x128xf32, #tpu.memory_space<vmem_shared>> -> memref<120x128xf32, #tpu.memory_space<vmem_shared>>
          %dma_wait3A_311 = arith.constant 0 : i32
          %dma_wait3A_312 = arith.constant 0 : i32
          %dma_wait3A_313 = tpu.memref_slice %arg12[%dma_wait3A_311, %dma_wait3A_312] : memref<10008x128xf32, #tpu.memory_space<vmem_shared>> -> memref<120x128xf32, #tpu.memory_space<vmem_shared>>
          tpu.wait_dma2 semaphore(%arg17 : memref<!tpu.dma_semaphore, #tpu.memory_space<semaphore_mem>>) src(%arg10 : memref<120x128xf32, #tpu.memory_space<vmem>>) dst(%dma_wait3A_313 : memref<120x128xf32, #tpu.memory_space<vmem_shared>>)
          %dma_wait3A_314 = arith.constant 0 : i32
          %dma_wait3A_315 = arith.constant 0 : i32
          %dma_wait3A_316 = tpu.memref_slice %arg12[%dma_wait3A_314, %dma_wait3A_315] : memref<10008x128xf32, #tpu.memory_space<vmem_shared>> -> memref<120x128xf32, #tpu.memory_space<vmem_shared>>
          %dma_wait3A_317 = arith.constant 0 : i32
          %dma_wait3A_318 = arith.constant 0 : i32
          %dma_wait3A_319 = tpu.memref_slice %arg12[%dma_wait3A_317, %dma_wait3A_318] : memref<10008x128xf32, #tpu.memory_space<vmem_shared>> -> memref<120x128xf32, #tpu.memory_space<vmem_shared>>
          tpu.wait_dma2 semaphore(%arg18 : memref<!tpu.dma_semaphore, #tpu.memory_space<semaphore_mem>>) src(%arg11 : memref<120x128xf32, #tpu.memory_space<vmem>>) dst(%dma_wait3A_319 : memref<120x128xf32, #tpu.memory_space<vmem_shared>>)
          %dma_wait3A_320 = arith.constant 0 : i32
          %dma_wait3A_321 = arith.constant 0 : i32
          %dma_wait3A_322 = tpu.memref_slice %arg4[%add3A, %dma_wait3A_320, %dma_wait3A_321] : memref<32x176x120xi32, #tpu.memory_space<hbm>> -> memref<1x16x120xi32, #tpu.memory_space<hbm>>
          %dma_wait3A_323 = tpu.memref_squeeze %dma_wait3A_322 : memref<1x16x120xi32, #tpu.memory_space<hbm>> -> memref<16x120xi32, #tpu.memory_space<hbm>>
          %dma_wait3A_324 = arith.constant 0 : i32
          %dma_wait3A_325 = arith.constant 0 : i32
          %dma_wait3A_326 = tpu.memref_slice %arg4[%add3A, %dma_wait3A_324, %dma_wait3A_325] : memref<32x176x120xi32, #tpu.memory_space<hbm>> -> memref<1x16x120xi32, #tpu.memory_space<hbm>>
          %dma_wait3A_327 = tpu.memref_squeeze %dma_wait3A_326 : memref<1x16x120xi32, #tpu.memory_space<hbm>> -> memref<16x120xi32, #tpu.memory_space<hbm>>
          tpu.wait_dma2 semaphore(%arg19 : memref<!tpu.dma_semaphore, #tpu.memory_space<semaphore_mem>>) src(%dma_wait3A_327 : memref<16x120xi32, #tpu.memory_space<hbm>>) dst(%arg7 : memref<16x120xi32, #tpu.memory_space<vmem>>)
        } else {
        }
        %add3A_82 = arith.constant 1 : i32
        %add3A_83 = arith.addi %scan3A_41, %add3A_82 : i32
        %lt3A_84 = arith.constant 11 : i32
        %lt3A_85 = arith.cmpi slt, %add3A_83, %lt3A_84 : i32
        %convert_element_type3A_86 = arith.extui %lt3A_85 : i1 to i32
        %cond3A_87 = arith.constant 0 : i32
        %cond3A_88 = arith.cmpi ne, %convert_element_type3A_86, %cond3A_87 : i32
        scf.if %cond3A_88 {
          %add3A_302 = arith.constant 1 : i32
          %add3A_303 = arith.addi %scan3A_41, %add3A_302 : i32
          %mul3A_304 = arith.constant 2 : i32
          %mul3A_305 = arith.muli %add3A_303, %mul3A_304 : i32
          %mul3A_306 = arith.constant 8 : i32
          %mul3A_307 = arith.muli %mul3A_305, %mul3A_306 : i32
          %dma_start3A_308 = arith.constant 0 : i32
          %dma_start3A_309 = tpu.memref_slice %arg4[%add3A, %mul3A_307, %dma_start3A_308] : memref<32x176x120xi32, #tpu.memory_space<hbm>> -> memref<1x16x120xi32, #tpu.memory_space<hbm>>
          %dma_start3A_310 = tpu.memref_squeeze %dma_start3A_309 : memref<1x16x120xi32, #tpu.memory_space<hbm>> -> memref<16x120xi32, #tpu.memory_space<hbm>>
          %dma_start3A_311 = arith.constant 0 : i32
          %dma_start3A_312 = tpu.memref_slice %arg4[%add3A, %mul3A_307, %dma_start3A_311] : memref<32x176x120xi32, #tpu.memory_space<hbm>> -> memref<1x16x120xi32, #tpu.memory_space<hbm>>
          %dma_start3A_313 = tpu.memref_squeeze %dma_start3A_312 : memref<1x16x120xi32, #tpu.memory_space<hbm>> -> memref<16x120xi32, #tpu.memory_space<hbm>>
          tpu.enqueue_dma source(%dma_start3A_313 : memref<16x120xi32, #tpu.memory_space<hbm>>) target(%arg8 : memref<16x120xi32, #tpu.memory_space<vmem>>) target_semaphore(%arg19 : memref<!tpu.dma_semaphore, #tpu.memory_space<semaphore_mem>>)
        } else {
        }
        %eq3A_89 = arith.constant 0 : i32
        %eq3A_90 = arith.cmpi eq, %arg0, %eq3A_89 : i32
        %convert_element_type3A_91 = arith.extui %eq3A_90 : i1 to i32
        %cond3A_92 = arith.constant 0 : i32
        %cond3A_93 = arith.cmpi ne, %convert_element_type3A_91, %cond3A_92 : i32
        scf.if %cond3A_93 {
          %dma_start3A_302 = arith.constant 0 : i32
          %dma_start3A_303 = arith.constant 0 : i32
          %dma_start3A_304 = tpu.memref_slice %arg7[%dma_start3A_302, %dma_start3A_303] : memref<16x120xi32, #tpu.memory_space<vmem>> -> memref<1x120xi32, #tpu.memory_space<vmem>>
          %dma_start3A_305 = tpu.memref_squeeze %dma_start3A_304 : memref<1x120xi32, #tpu.memory_space<vmem>> -> memref<120xi32, #tpu.memory_space<vmem>>
          %dma_start3A_306 = arith.constant 0 : i32
          %dma_start3A_307 = arith.constant 0 : i32
          %dma_start3A_308 = tpu.memref_slice %arg2[%dma_start3A_306, %dma_start3A_307] : memref<10000x128xf32, #tpu.memory_space<hbm>> -> memref<10000x128xf32, #tpu.memory_space<hbm>>
          tpu.enqueue_indirect_dma source(%dma_start3A_308 : memref<10000x128xf32, #tpu.memory_space<hbm>>) target(%arg9 : memref<120x128xf32, #tpu.memory_space<vmem>>) offsets(%dma_start3A_305 : memref<120xi32, #tpu.memory_space<vmem>>) semaphore(%arg13 : memref<!tpu.dma_semaphore, #tpu.memory_space<semaphore_mem>>)
        } else {
        }
        %eq3A_94 = arith.constant 1 : i32
        %eq3A_95 = arith.cmpi eq, %arg0, %eq3A_94 : i32
        %convert_element_type3A_96 = arith.extui %eq3A_95 : i1 to i32
        %cond3A_97 = arith.constant 0 : i32
        %cond3A_98 = arith.cmpi ne, %convert_element_type3A_96, %cond3A_97 : i32
        scf.if %cond3A_98 {
          %dma_start3A_302 = arith.constant 0 : i32
          %dma_start3A_303 = arith.constant 0 : i32
          %dma_start3A_304 = tpu.memref_slice %arg7[%dma_start3A_302, %dma_start3A_303] : memref<16x120xi32, #tpu.memory_space<vmem>> -> memref<1x120xi32, #tpu.memory_space<vmem>>
          %dma_start3A_305 = tpu.memref_squeeze %dma_start3A_304 : memref<1x120xi32, #tpu.memory_space<vmem>> -> memref<120xi32, #tpu.memory_space<vmem>>
          %dma_start3A_306 = arith.constant 0 : i32
          %dma_start3A_307 = arith.constant 0 : i32
          %dma_start3A_308 = tpu.memref_slice %arg3[%dma_start3A_306, %dma_start3A_307] : memref<10000x128xf32, #tpu.memory_space<hbm>> -> memref<10000x128xf32, #tpu.memory_space<hbm>>
          tpu.enqueue_indirect_dma source(%dma_start3A_308 : memref<10000x128xf32, #tpu.memory_space<hbm>>) target(%arg9 : memref<120x128xf32, #tpu.memory_space<vmem>>) offsets(%dma_start3A_305 : memref<120xi32, #tpu.memory_space<vmem>>) semaphore(%arg13 : memref<!tpu.dma_semaphore, #tpu.memory_space<semaphore_mem>>)
        } else {
        }
        %eq3A_99 = arith.constant 0 : i32
        %eq3A_100 = arith.cmpi eq, %arg0, %eq3A_99 : i32
        %convert_element_type3A_101 = arith.extui %eq3A_100 : i1 to i32
        %cond3A_102 = arith.constant 0 : i32
        %cond3A_103 = arith.cmpi ne, %convert_element_type3A_101, %cond3A_102 : i32
        scf.if %cond3A_103 {
          %dma_start3A_302 = arith.constant 2 : i32
          %dma_start3A_303 = arith.constant 0 : i32
          %dma_start3A_304 = tpu.memref_slice %arg7[%dma_start3A_302, %dma_start3A_303] : memref<16x120xi32, #tpu.memory_space<vmem>> -> memref<1x120xi32, #tpu.memory_space<vmem>>
          %dma_start3A_305 = tpu.memref_squeeze %dma_start3A_304 : memref<1x120xi32, #tpu.memory_space<vmem>> -> memref<120xi32, #tpu.memory_space<vmem>>
          %dma_start3A_306 = arith.constant 0 : i32
          %dma_start3A_307 = arith.constant 0 : i32
          %dma_start3A_308 = tpu.memref_slice %arg2[%dma_start3A_306, %dma_start3A_307] : memref<10000x128xf32, #tpu.memory_space<hbm>> -> memref<10000x128xf32, #tpu.memory_space<hbm>>
          tpu.enqueue_indirect_dma source(%dma_start3A_308 : memref<10000x128xf32, #tpu.memory_space<hbm>>) target(%arg10 : memref<120x128xf32, #tpu.memory_space<vmem>>) offsets(%dma_start3A_305 : memref<120xi32, #tpu.memory_space<vmem>>) semaphore(%arg14 : memref<!tpu.dma_semaphore, #tpu.memory_space<semaphore_mem>>)
        } else {
        }
        %eq3A_104 = arith.constant 1 : i32
        %eq3A_105 = arith.cmpi eq, %arg0, %eq3A_104 : i32
        %convert_element_type3A_106 = arith.extui %eq3A_105 : i1 to i32
        %cond3A_107 = arith.constant 0 : i32
        %cond3A_108 = arith.cmpi ne, %convert_element_type3A_106, %cond3A_107 : i32
        scf.if %cond3A_108 {
          %dma_start3A_302 = arith.constant 2 : i32
          %dma_start3A_303 = arith.constant 0 : i32
          %dma_start3A_304 = tpu.memref_slice %arg7[%dma_start3A_302, %dma_start3A_303] : memref<16x120xi32, #tpu.memory_space<vmem>> -> memref<1x120xi32, #tpu.memory_space<vmem>>
          %dma_start3A_305 = tpu.memref_squeeze %dma_start3A_304 : memref<1x120xi32, #tpu.memory_space<vmem>> -> memref<120xi32, #tpu.memory_space<vmem>>
          %dma_start3A_306 = arith.constant 0 : i32
          %dma_start3A_307 = arith.constant 0 : i32
          %dma_start3A_308 = tpu.memref_slice %arg3[%dma_start3A_306, %dma_start3A_307] : memref<10000x128xf32, #tpu.memory_space<hbm>> -> memref<10000x128xf32, #tpu.memory_space<hbm>>
          tpu.enqueue_indirect_dma source(%dma_start3A_308 : memref<10000x128xf32, #tpu.memory_space<hbm>>) target(%arg10 : memref<120x128xf32, #tpu.memory_space<vmem>>) offsets(%dma_start3A_305 : memref<120xi32, #tpu.memory_space<vmem>>) semaphore(%arg14 : memref<!tpu.dma_semaphore, #tpu.memory_space<semaphore_mem>>)
        } else {
        }
        %eq3A_109 = arith.constant 0 : i32
        %eq3A_110 = arith.cmpi eq, %arg0, %eq3A_109 : i32
        %convert_element_type3A_111 = arith.extui %eq3A_110 : i1 to i32
        %cond3A_112 = arith.constant 0 : i32
        %cond3A_113 = arith.cmpi ne, %convert_element_type3A_111, %cond3A_112 : i32
        scf.if %cond3A_113 {
          %dma_start3A_302 = arith.constant 4 : i32
          %dma_start3A_303 = arith.constant 0 : i32
          %dma_start3A_304 = tpu.memref_slice %arg7[%dma_start3A_302, %dma_start3A_303] : memref<16x120xi32, #tpu.memory_space<vmem>> -> memref<1x120xi32, #tpu.memory_space<vmem>>
          %dma_start3A_305 = tpu.memref_squeeze %dma_start3A_304 : memref<1x120xi32, #tpu.memory_space<vmem>> -> memref<120xi32, #tpu.memory_space<vmem>>
          %dma_start3A_306 = arith.constant 0 : i32
          %dma_start3A_307 = arith.constant 0 : i32
          %dma_start3A_308 = tpu.memref_slice %arg2[%dma_start3A_306, %dma_start3A_307] : memref<10000x128xf32, #tpu.memory_space<hbm>> -> memref<10000x128xf32, #tpu.memory_space<hbm>>
          tpu.enqueue_indirect_dma source(%dma_start3A_308 : memref<10000x128xf32, #tpu.memory_space<hbm>>) target(%arg11 : memref<120x128xf32, #tpu.memory_space<vmem>>) offsets(%dma_start3A_305 : memref<120xi32, #tpu.memory_space<vmem>>) semaphore(%arg15 : memref<!tpu.dma_semaphore, #tpu.memory_space<semaphore_mem>>)
        } else {
        }
        %eq3A_114 = arith.constant 1 : i32
        %eq3A_115 = arith.cmpi eq, %arg0, %eq3A_114 : i32
        %convert_element_type3A_116 = arith.extui %eq3A_115 : i1 to i32
        %cond3A_117 = arith.constant 0 : i32
        %cond3A_118 = arith.cmpi ne, %convert_element_type3A_116, %cond3A_117 : i32
        scf.if %cond3A_118 {
          %dma_start3A_302 = arith.constant 4 : i32
          %dma_start3A_303 = arith.constant 0 : i32
          %dma_start3A_304 = tpu.memref_slice %arg7[%dma_start3A_302, %dma_start3A_303] : memref<16x120xi32, #tpu.memory_space<vmem>> -> memref<1x120xi32, #tpu.memory_space<vmem>>
          %dma_start3A_305 = tpu.memref_squeeze %dma_start3A_304 : memref<1x120xi32, #tpu.memory_space<vmem>> -> memref<120xi32, #tpu.memory_space<vmem>>
          %dma_start3A_306 = arith.constant 0 : i32
          %dma_start3A_307 = arith.constant 0 : i32
          %dma_start3A_308 = tpu.memref_slice %arg3[%dma_start3A_306, %dma_start3A_307] : memref<10000x128xf32, #tpu.memory_space<hbm>> -> memref<10000x128xf32, #tpu.memory_space<hbm>>
          tpu.enqueue_indirect_dma source(%dma_start3A_308 : memref<10000x128xf32, #tpu.memory_space<hbm>>) target(%arg11 : memref<120x128xf32, #tpu.memory_space<vmem>>) offsets(%dma_start3A_305 : memref<120xi32, #tpu.memory_space<vmem>>) semaphore(%arg15 : memref<!tpu.dma_semaphore, #tpu.memory_space<semaphore_mem>>)
        } else {
        }
        %dma_wait3A_119 = arith.constant 0 : i32
        %dma_wait3A_120 = arith.constant 0 : i32
        %dma_wait3A_121 = tpu.memref_slice %arg2[%dma_wait3A_119, %dma_wait3A_120] : memref<10000x128xf32, #tpu.memory_space<hbm>> -> memref<120x128xf32, #tpu.memory_space<hbm>>
        %dma_wait3A_122 = arith.constant 0 : i32
        %dma_wait3A_123 = arith.constant 0 : i32
        %dma_wait3A_124 = tpu.memref_slice %arg2[%dma_wait3A_122, %dma_wait3A_123] : memref<10000x128xf32, #tpu.memory_space<hbm>> -> memref<120x128xf32, #tpu.memory_space<hbm>>
        tpu.wait_dma2 semaphore(%arg13 : memref<!tpu.dma_semaphore, #tpu.memory_space<semaphore_mem>>) src(%dma_wait3A_124 : memref<120x128xf32, #tpu.memory_space<hbm>>) dst(%arg9 : memref<120x128xf32, #tpu.memory_space<vmem>>)
        %dma_start3A = arith.constant 1 : i32
        %dma_start3A_125 = arith.constant 0 : i32
        %dma_start3A_126 = tpu.memref_slice %arg7[%dma_start3A, %dma_start3A_125] : memref<16x120xi32, #tpu.memory_space<vmem>> -> memref<1x120xi32, #tpu.memory_space<vmem>>
        %dma_start3A_127 = tpu.memref_squeeze %dma_start3A_126 : memref<1x120xi32, #tpu.memory_space<vmem>> -> memref<120xi32, #tpu.memory_space<vmem>>
        %dma_start3A_128 = arith.constant 0 : i32
        %dma_start3A_129 = arith.constant 0 : i32
        %dma_start3A_130 = tpu.memref_slice %arg12[%dma_start3A_128, %dma_start3A_129] : memref<10008x128xf32, #tpu.memory_space<vmem_shared>> -> memref<10008x128xf32, #tpu.memory_space<vmem_shared>>
        tpu.enqueue_indirect_dma source(%arg9 : memref<120x128xf32, #tpu.memory_space<vmem>>) target(%dma_start3A_130 : memref<10008x128xf32, #tpu.memory_space<vmem_shared>>) offsets(%dma_start3A_127 : memref<120xi32, #tpu.memory_space<vmem>>) semaphore(%arg16 : memref<!tpu.dma_semaphore, #tpu.memory_space<semaphore_mem>>) {add = true}
        %dma_wait3A_131 = arith.constant 0 : i32
        %dma_wait3A_132 = arith.constant 0 : i32
        %dma_wait3A_133 = tpu.memref_slice %arg12[%dma_wait3A_131, %dma_wait3A_132] : memref<10008x128xf32, #tpu.memory_space<vmem_shared>> -> memref<120x128xf32, #tpu.memory_space<vmem_shared>>
        %dma_wait3A_134 = arith.constant 0 : i32
        %dma_wait3A_135 = arith.constant 0 : i32
        %dma_wait3A_136 = tpu.memref_slice %arg12[%dma_wait3A_134, %dma_wait3A_135] : memref<10008x128xf32, #tpu.memory_space<vmem_shared>> -> memref<120x128xf32, #tpu.memory_space<vmem_shared>>
        tpu.wait_dma2 semaphore(%arg16 : memref<!tpu.dma_semaphore, #tpu.memory_space<semaphore_mem>>) src(%arg9 : memref<120x128xf32, #tpu.memory_space<vmem>>) dst(%dma_wait3A_136 : memref<120x128xf32, #tpu.memory_space<vmem_shared>>)
        %eq3A_137 = arith.constant 0 : i32
        %eq3A_138 = arith.cmpi eq, %arg0, %eq3A_137 : i32
        %convert_element_type3A_139 = arith.extui %eq3A_138 : i1 to i32
        %cond3A_140 = arith.constant 0 : i32
        %cond3A_141 = arith.cmpi ne, %convert_element_type3A_139, %cond3A_140 : i32
        scf.if %cond3A_141 {
          %dma_start3A_302 = arith.constant 6 : i32
          %dma_start3A_303 = arith.constant 0 : i32
          %dma_start3A_304 = tpu.memref_slice %arg7[%dma_start3A_302, %dma_start3A_303] : memref<16x120xi32, #tpu.memory_space<vmem>> -> memref<1x120xi32, #tpu.memory_space<vmem>>
          %dma_start3A_305 = tpu.memref_squeeze %dma_start3A_304 : memref<1x120xi32, #tpu.memory_space<vmem>> -> memref<120xi32, #tpu.memory_space<vmem>>
          %dma_start3A_306 = arith.constant 0 : i32
          %dma_start3A_307 = arith.constant 0 : i32
          %dma_start3A_308 = tpu.memref_slice %arg2[%dma_start3A_306, %dma_start3A_307] : memref<10000x128xf32, #tpu.memory_space<hbm>> -> memref<10000x128xf32, #tpu.memory_space<hbm>>
          tpu.enqueue_indirect_dma source(%dma_start3A_308 : memref<10000x128xf32, #tpu.memory_space<hbm>>) target(%arg9 : memref<120x128xf32, #tpu.memory_space<vmem>>) offsets(%dma_start3A_305 : memref<120xi32, #tpu.memory_space<vmem>>) semaphore(%arg13 : memref<!tpu.dma_semaphore, #tpu.memory_space<semaphore_mem>>)
        } else {
        }
        %eq3A_142 = arith.constant 1 : i32
        %eq3A_143 = arith.cmpi eq, %arg0, %eq3A_142 : i32
        %convert_element_type3A_144 = arith.extui %eq3A_143 : i1 to i32
        %cond3A_145 = arith.constant 0 : i32
        %cond3A_146 = arith.cmpi ne, %convert_element_type3A_144, %cond3A_145 : i32
        scf.if %cond3A_146 {
          %dma_start3A_302 = arith.constant 6 : i32
          %dma_start3A_303 = arith.constant 0 : i32
          %dma_start3A_304 = tpu.memref_slice %arg7[%dma_start3A_302, %dma_start3A_303] : memref<16x120xi32, #tpu.memory_space<vmem>> -> memref<1x120xi32, #tpu.memory_space<vmem>>
          %dma_start3A_305 = tpu.memref_squeeze %dma_start3A_304 : memref<1x120xi32, #tpu.memory_space<vmem>> -> memref<120xi32, #tpu.memory_space<vmem>>
          %dma_start3A_306 = arith.constant 0 : i32
          %dma_start3A_307 = arith.constant 0 : i32
          %dma_start3A_308 = tpu.memref_slice %arg3[%dma_start3A_306, %dma_start3A_307] : memref<10000x128xf32, #tpu.memory_space<hbm>> -> memref<10000x128xf32, #tpu.memory_space<hbm>>
          tpu.enqueue_indirect_dma source(%dma_start3A_308 : memref<10000x128xf32, #tpu.memory_space<hbm>>) target(%arg9 : memref<120x128xf32, #tpu.memory_space<vmem>>) offsets(%dma_start3A_305 : memref<120xi32, #tpu.memory_space<vmem>>) semaphore(%arg13 : memref<!tpu.dma_semaphore, #tpu.memory_space<semaphore_mem>>)
        } else {
        }
        %dma_wait3A_147 = arith.constant 0 : i32
        %dma_wait3A_148 = arith.constant 0 : i32
        %dma_wait3A_149 = tpu.memref_slice %arg2[%dma_wait3A_147, %dma_wait3A_148] : memref<10000x128xf32, #tpu.memory_space<hbm>> -> memref<120x128xf32, #tpu.memory_space<hbm>>
        %dma_wait3A_150 = arith.constant 0 : i32
        %dma_wait3A_151 = arith.constant 0 : i32
        %dma_wait3A_152 = tpu.memref_slice %arg2[%dma_wait3A_150, %dma_wait3A_151] : memref<10000x128xf32, #tpu.memory_space<hbm>> -> memref<120x128xf32, #tpu.memory_space<hbm>>
        tpu.wait_dma2 semaphore(%arg14 : memref<!tpu.dma_semaphore, #tpu.memory_space<semaphore_mem>>) src(%dma_wait3A_152 : memref<120x128xf32, #tpu.memory_space<hbm>>) dst(%arg10 : memref<120x128xf32, #tpu.memory_space<vmem>>)
        %dma_start3A_153 = arith.constant 3 : i32
        %dma_start3A_154 = arith.constant 0 : i32
        %dma_start3A_155 = tpu.memref_slice %arg7[%dma_start3A_153, %dma_start3A_154] : memref<16x120xi32, #tpu.memory_space<vmem>> -> memref<1x120xi32, #tpu.memory_space<vmem>>
        %dma_start3A_156 = tpu.memref_squeeze %dma_start3A_155 : memref<1x120xi32, #tpu.memory_space<vmem>> -> memref<120xi32, #tpu.memory_space<vmem>>
        %dma_start3A_157 = arith.constant 0 : i32
        %dma_start3A_158 = arith.constant 0 : i32
        %dma_start3A_159 = tpu.memref_slice %arg12[%dma_start3A_157, %dma_start3A_158] : memref<10008x128xf32, #tpu.memory_space<vmem_shared>> -> memref<10008x128xf32, #tpu.memory_space<vmem_shared>>
        tpu.enqueue_indirect_dma source(%arg10 : memref<120x128xf32, #tpu.memory_space<vmem>>) target(%dma_start3A_159 : memref<10008x128xf32, #tpu.memory_space<vmem_shared>>) offsets(%dma_start3A_156 : memref<120xi32, #tpu.memory_space<vmem>>) semaphore(%arg17 : memref<!tpu.dma_semaphore, #tpu.memory_space<semaphore_mem>>) {add = true}
        %dma_wait3A_160 = arith.constant 0 : i32
        %dma_wait3A_161 = arith.constant 0 : i32
        %dma_wait3A_162 = tpu.memref_slice %arg12[%dma_wait3A_160, %dma_wait3A_161] : memref<10008x128xf32, #tpu.memory_space<vmem_shared>> -> memref<120x128xf32, #tpu.memory_space<vmem_shared>>
        %dma_wait3A_163 = arith.constant 0 : i32
        %dma_wait3A_164 = arith.constant 0 : i32
        %dma_wait3A_165 = tpu.memref_slice %arg12[%dma_wait3A_163, %dma_wait3A_164] : memref<10008x128xf32, #tpu.memory_space<vmem_shared>> -> memref<120x128xf32, #tpu.memory_space<vmem_shared>>
        tpu.wait_dma2 semaphore(%arg17 : memref<!tpu.dma_semaphore, #tpu.memory_space<semaphore_mem>>) src(%arg10 : memref<120x128xf32, #tpu.memory_space<vmem>>) dst(%dma_wait3A_165 : memref<120x128xf32, #tpu.memory_space<vmem_shared>>)
        %eq3A_166 = arith.constant 0 : i32
        %eq3A_167 = arith.cmpi eq, %arg0, %eq3A_166 : i32
        %convert_element_type3A_168 = arith.extui %eq3A_167 : i1 to i32
        %cond3A_169 = arith.constant 0 : i32
        %cond3A_170 = arith.cmpi ne, %convert_element_type3A_168, %cond3A_169 : i32
        scf.if %cond3A_170 {
          %dma_start3A_302 = arith.constant 8 : i32
          %dma_start3A_303 = arith.constant 0 : i32
          %dma_start3A_304 = tpu.memref_slice %arg7[%dma_start3A_302, %dma_start3A_303] : memref<16x120xi32, #tpu.memory_space<vmem>> -> memref<1x120xi32, #tpu.memory_space<vmem>>
          %dma_start3A_305 = tpu.memref_squeeze %dma_start3A_304 : memref<1x120xi32, #tpu.memory_space<vmem>> -> memref<120xi32, #tpu.memory_space<vmem>>
          %dma_start3A_306 = arith.constant 0 : i32
          %dma_start3A_307 = arith.constant 0 : i32
          %dma_start3A_308 = tpu.memref_slice %arg2[%dma_start3A_306, %dma_start3A_307] : memref<10000x128xf32, #tpu.memory_space<hbm>> -> memref<10000x128xf32, #tpu.memory_space<hbm>>
          tpu.enqueue_indirect_dma source(%dma_start3A_308 : memref<10000x128xf32, #tpu.memory_space<hbm>>) target(%arg10 : memref<120x128xf32, #tpu.memory_space<vmem>>) offsets(%dma_start3A_305 : memref<120xi32, #tpu.memory_space<vmem>>) semaphore(%arg14 : memref<!tpu.dma_semaphore, #tpu.memory_space<semaphore_mem>>)
        } else {
        }
        %eq3A_171 = arith.constant 1 : i32
        %eq3A_172 = arith.cmpi eq, %arg0, %eq3A_171 : i32
        %convert_element_type3A_173 = arith.extui %eq3A_172 : i1 to i32
        %cond3A_174 = arith.constant 0 : i32
        %cond3A_175 = arith.cmpi ne, %convert_element_type3A_173, %cond3A_174 : i32
        scf.if %cond3A_175 {
          %dma_start3A_302 = arith.constant 8 : i32
          %dma_start3A_303 = arith.constant 0 : i32
          %dma_start3A_304 = tpu.memref_slice %arg7[%dma_start3A_302, %dma_start3A_303] : memref<16x120xi32, #tpu.memory_space<vmem>> -> memref<1x120xi32, #tpu.memory_space<vmem>>
          %dma_start3A_305 = tpu.memref_squeeze %dma_start3A_304 : memref<1x120xi32, #tpu.memory_space<vmem>> -> memref<120xi32, #tpu.memory_space<vmem>>
          %dma_start3A_306 = arith.constant 0 : i32
          %dma_start3A_307 = arith.constant 0 : i32
          %dma_start3A_308 = tpu.memref_slice %arg3[%dma_start3A_306, %dma_start3A_307] : memref<10000x128xf32, #tpu.memory_space<hbm>> -> memref<10000x128xf32, #tpu.memory_space<hbm>>
          tpu.enqueue_indirect_dma source(%dma_start3A_308 : memref<10000x128xf32, #tpu.memory_space<hbm>>) target(%arg10 : memref<120x128xf32, #tpu.memory_space<vmem>>) offsets(%dma_start3A_305 : memref<120xi32, #tpu.memory_space<vmem>>) semaphore(%arg14 : memref<!tpu.dma_semaphore, #tpu.memory_space<semaphore_mem>>)
        } else {
        }
        %dma_wait3A_176 = arith.constant 0 : i32
        %dma_wait3A_177 = arith.constant 0 : i32
        %dma_wait3A_178 = tpu.memref_slice %arg2[%dma_wait3A_176, %dma_wait3A_177] : memref<10000x128xf32, #tpu.memory_space<hbm>> -> memref<120x128xf32, #tpu.memory_space<hbm>>
        %dma_wait3A_179 = arith.constant 0 : i32
        %dma_wait3A_180 = arith.constant 0 : i32
        %dma_wait3A_181 = tpu.memref_slice %arg2[%dma_wait3A_179, %dma_wait3A_180] : memref<10000x128xf32, #tpu.memory_space<hbm>> -> memref<120x128xf32, #tpu.memory_space<hbm>>
        tpu.wait_dma2 semaphore(%arg15 : memref<!tpu.dma_semaphore, #tpu.memory_space<semaphore_mem>>) src(%dma_wait3A_181 : memref<120x128xf32, #tpu.memory_space<hbm>>) dst(%arg11 : memref<120x128xf32, #tpu.memory_space<vmem>>)
        %dma_start3A_182 = arith.constant 5 : i32
        %dma_start3A_183 = arith.constant 0 : i32
        %dma_start3A_184 = tpu.memref_slice %arg7[%dma_start3A_182, %dma_start3A_183] : memref<16x120xi32, #tpu.memory_space<vmem>> -> memref<1x120xi32, #tpu.memory_space<vmem>>
        %dma_start3A_185 = tpu.memref_squeeze %dma_start3A_184 : memref<1x120xi32, #tpu.memory_space<vmem>> -> memref<120xi32, #tpu.memory_space<vmem>>
        %dma_start3A_186 = arith.constant 0 : i32
        %dma_start3A_187 = arith.constant 0 : i32
        %dma_start3A_188 = tpu.memref_slice %arg12[%dma_start3A_186, %dma_start3A_187] : memref<10008x128xf32, #tpu.memory_space<vmem_shared>> -> memref<10008x128xf32, #tpu.memory_space<vmem_shared>>
        tpu.enqueue_indirect_dma source(%arg11 : memref<120x128xf32, #tpu.memory_space<vmem>>) target(%dma_start3A_188 : memref<10008x128xf32, #tpu.memory_space<vmem_shared>>) offsets(%dma_start3A_185 : memref<120xi32, #tpu.memory_space<vmem>>) semaphore(%arg18 : memref<!tpu.dma_semaphore, #tpu.memory_space<semaphore_mem>>) {add = true}
        %dma_wait3A_189 = arith.constant 0 : i32
        %dma_wait3A_190 = arith.constant 0 : i32
        %dma_wait3A_191 = tpu.memref_slice %arg12[%dma_wait3A_189, %dma_wait3A_190] : memref<10008x128xf32, #tpu.memory_space<vmem_shared>> -> memref<120x128xf32, #tpu.memory_space<vmem_shared>>
        %dma_wait3A_192 = arith.constant 0 : i32
        %dma_wait3A_193 = arith.constant 0 : i32
        %dma_wait3A_194 = tpu.memref_slice %arg12[%dma_wait3A_192, %dma_wait3A_193] : memref<10008x128xf32, #tpu.memory_space<vmem_shared>> -> memref<120x128xf32, #tpu.memory_space<vmem_shared>>
        tpu.wait_dma2 semaphore(%arg18 : memref<!tpu.dma_semaphore, #tpu.memory_space<semaphore_mem>>) src(%arg11 : memref<120x128xf32, #tpu.memory_space<vmem>>) dst(%dma_wait3A_194 : memref<120x128xf32, #tpu.memory_space<vmem_shared>>)
        %eq3A_195 = arith.constant 0 : i32
        %eq3A_196 = arith.cmpi eq, %arg0, %eq3A_195 : i32
        %convert_element_type3A_197 = arith.extui %eq3A_196 : i1 to i32
        %cond3A_198 = arith.constant 0 : i32
        %cond3A_199 = arith.cmpi ne, %convert_element_type3A_197, %cond3A_198 : i32
        scf.if %cond3A_199 {
          %dma_start3A_302 = arith.constant 10 : i32
          %dma_start3A_303 = arith.constant 0 : i32
          %dma_start3A_304 = tpu.memref_slice %arg7[%dma_start3A_302, %dma_start3A_303] : memref<16x120xi32, #tpu.memory_space<vmem>> -> memref<1x120xi32, #tpu.memory_space<vmem>>
          %dma_start3A_305 = tpu.memref_squeeze %dma_start3A_304 : memref<1x120xi32, #tpu.memory_space<vmem>> -> memref<120xi32, #tpu.memory_space<vmem>>
          %dma_start3A_306 = arith.constant 0 : i32
          %dma_start3A_307 = arith.constant 0 : i32
          %dma_start3A_308 = tpu.memref_slice %arg2[%dma_start3A_306, %dma_start3A_307] : memref<10000x128xf32, #tpu.memory_space<hbm>> -> memref<10000x128xf32, #tpu.memory_space<hbm>>
          tpu.enqueue_indirect_dma source(%dma_start3A_308 : memref<10000x128xf32, #tpu.memory_space<hbm>>) target(%arg11 : memref<120x128xf32, #tpu.memory_space<vmem>>) offsets(%dma_start3A_305 : memref<120xi32, #tpu.memory_space<vmem>>) semaphore(%arg15 : memref<!tpu.dma_semaphore, #tpu.memory_space<semaphore_mem>>)
        } else {
        }
        %eq3A_200 = arith.constant 1 : i32
        %eq3A_201 = arith.cmpi eq, %arg0, %eq3A_200 : i32
        %convert_element_type3A_202 = arith.extui %eq3A_201 : i1 to i32
        %cond3A_203 = arith.constant 0 : i32
        %cond3A_204 = arith.cmpi ne, %convert_element_type3A_202, %cond3A_203 : i32
        scf.if %cond3A_204 {
          %dma_start3A_302 = arith.constant 10 : i32
          %dma_start3A_303 = arith.constant 0 : i32
          %dma_start3A_304 = tpu.memref_slice %arg7[%dma_start3A_302, %dma_start3A_303] : memref<16x120xi32, #tpu.memory_space<vmem>> -> memref<1x120xi32, #tpu.memory_space<vmem>>
          %dma_start3A_305 = tpu.memref_squeeze %dma_start3A_304 : memref<1x120xi32, #tpu.memory_space<vmem>> -> memref<120xi32, #tpu.memory_space<vmem>>
          %dma_start3A_306 = arith.constant 0 : i32
          %dma_start3A_307 = arith.constant 0 : i32
          %dma_start3A_308 = tpu.memref_slice %arg3[%dma_start3A_306, %dma_start3A_307] : memref<10000x128xf32, #tpu.memory_space<hbm>> -> memref<10000x128xf32, #tpu.memory_space<hbm>>
          tpu.enqueue_indirect_dma source(%dma_start3A_308 : memref<10000x128xf32, #tpu.memory_space<hbm>>) target(%arg11 : memref<120x128xf32, #tpu.memory_space<vmem>>) offsets(%dma_start3A_305 : memref<120xi32, #tpu.memory_space<vmem>>) semaphore(%arg15 : memref<!tpu.dma_semaphore, #tpu.memory_space<semaphore_mem>>)
        } else {
        }
        %dma_wait3A_205 = arith.constant 0 : i32
        %dma_wait3A_206 = arith.constant 0 : i32
        %dma_wait3A_207 = tpu.memref_slice %arg2[%dma_wait3A_205, %dma_wait3A_206] : memref<10000x128xf32, #tpu.memory_space<hbm>> -> memref<120x128xf32, #tpu.memory_space<hbm>>
        %dma_wait3A_208 = arith.constant 0 : i32
        %dma_wait3A_209 = arith.constant 0 : i32
        %dma_wait3A_210 = tpu.memref_slice %arg2[%dma_wait3A_208, %dma_wait3A_209] : memref<10000x128xf32, #tpu.memory_space<hbm>> -> memref<120x128xf32, #tpu.memory_space<hbm>>
        tpu.wait_dma2 semaphore(%arg13 : memref<!tpu.dma_semaphore, #tpu.memory_space<semaphore_mem>>) src(%dma_wait3A_210 : memref<120x128xf32, #tpu.memory_space<hbm>>) dst(%arg9 : memref<120x128xf32, #tpu.memory_space<vmem>>)
        %dma_start3A_211 = arith.constant 7 : i32
        %dma_start3A_212 = arith.constant 0 : i32
        %dma_start3A_213 = tpu.memref_slice %arg7[%dma_start3A_211, %dma_start3A_212] : memref<16x120xi32, #tpu.memory_space<vmem>> -> memref<1x120xi32, #tpu.memory_space<vmem>>
        %dma_start3A_214 = tpu.memref_squeeze %dma_start3A_213 : memref<1x120xi32, #tpu.memory_space<vmem>> -> memref<120xi32, #tpu.memory_space<vmem>>
        %dma_start3A_215 = arith.constant 0 : i32
        %dma_start3A_216 = arith.constant 0 : i32
        %dma_start3A_217 = tpu.memref_slice %arg12[%dma_start3A_215, %dma_start3A_216] : memref<10008x128xf32, #tpu.memory_space<vmem_shared>> -> memref<10008x128xf32, #tpu.memory_space<vmem_shared>>
        tpu.enqueue_indirect_dma source(%arg9 : memref<120x128xf32, #tpu.memory_space<vmem>>) target(%dma_start3A_217 : memref<10008x128xf32, #tpu.memory_space<vmem_shared>>) offsets(%dma_start3A_214 : memref<120xi32, #tpu.memory_space<vmem>>) semaphore(%arg16 : memref<!tpu.dma_semaphore, #tpu.memory_space<semaphore_mem>>) {add = true}
        %dma_wait3A_218 = arith.constant 0 : i32
        %dma_wait3A_219 = arith.constant 0 : i32
        %dma_wait3A_220 = tpu.memref_slice %arg12[%dma_wait3A_218, %dma_wait3A_219] : memref<10008x128xf32, #tpu.memory_space<vmem_shared>> -> memref<120x128xf32, #tpu.memory_space<vmem_shared>>
        %dma_wait3A_221 = arith.constant 0 : i32
        %dma_wait3A_222 = arith.constant 0 : i32
        %dma_wait3A_223 = tpu.memref_slice %arg12[%dma_wait3A_221, %dma_wait3A_222] : memref<10008x128xf32, #tpu.memory_space<vmem_shared>> -> memref<120x128xf32, #tpu.memory_space<vmem_shared>>
        tpu.wait_dma2 semaphore(%arg16 : memref<!tpu.dma_semaphore, #tpu.memory_space<semaphore_mem>>) src(%arg9 : memref<120x128xf32, #tpu.memory_space<vmem>>) dst(%dma_wait3A_223 : memref<120x128xf32, #tpu.memory_space<vmem_shared>>)
        %eq3A_224 = arith.constant 0 : i32
        %eq3A_225 = arith.cmpi eq, %arg0, %eq3A_224 : i32
        %convert_element_type3A_226 = arith.extui %eq3A_225 : i1 to i32
        %cond3A_227 = arith.constant 0 : i32
        %cond3A_228 = arith.cmpi ne, %convert_element_type3A_226, %cond3A_227 : i32
        scf.if %cond3A_228 {
          %dma_start3A_302 = arith.constant 12 : i32
          %dma_start3A_303 = arith.constant 0 : i32
          %dma_start3A_304 = tpu.memref_slice %arg7[%dma_start3A_302, %dma_start3A_303] : memref<16x120xi32, #tpu.memory_space<vmem>> -> memref<1x120xi32, #tpu.memory_space<vmem>>
          %dma_start3A_305 = tpu.memref_squeeze %dma_start3A_304 : memref<1x120xi32, #tpu.memory_space<vmem>> -> memref<120xi32, #tpu.memory_space<vmem>>
          %dma_start3A_306 = arith.constant 0 : i32
          %dma_start3A_307 = arith.constant 0 : i32
          %dma_start3A_308 = tpu.memref_slice %arg2[%dma_start3A_306, %dma_start3A_307] : memref<10000x128xf32, #tpu.memory_space<hbm>> -> memref<10000x128xf32, #tpu.memory_space<hbm>>
          tpu.enqueue_indirect_dma source(%dma_start3A_308 : memref<10000x128xf32, #tpu.memory_space<hbm>>) target(%arg9 : memref<120x128xf32, #tpu.memory_space<vmem>>) offsets(%dma_start3A_305 : memref<120xi32, #tpu.memory_space<vmem>>) semaphore(%arg13 : memref<!tpu.dma_semaphore, #tpu.memory_space<semaphore_mem>>)
        } else {
        }
        %eq3A_229 = arith.constant 1 : i32
        %eq3A_230 = arith.cmpi eq, %arg0, %eq3A_229 : i32
        %convert_element_type3A_231 = arith.extui %eq3A_230 : i1 to i32
        %cond3A_232 = arith.constant 0 : i32
        %cond3A_233 = arith.cmpi ne, %convert_element_type3A_231, %cond3A_232 : i32
        scf.if %cond3A_233 {
          %dma_start3A_302 = arith.constant 12 : i32
          %dma_start3A_303 = arith.constant 0 : i32
          %dma_start3A_304 = tpu.memref_slice %arg7[%dma_start3A_302, %dma_start3A_303] : memref<16x120xi32, #tpu.memory_space<vmem>> -> memref<1x120xi32, #tpu.memory_space<vmem>>
          %dma_start3A_305 = tpu.memref_squeeze %dma_start3A_304 : memref<1x120xi32, #tpu.memory_space<vmem>> -> memref<120xi32, #tpu.memory_space<vmem>>
          %dma_start3A_306 = arith.constant 0 : i32
          %dma_start3A_307 = arith.constant 0 : i32
          %dma_start3A_308 = tpu.memref_slice %arg3[%dma_start3A_306, %dma_start3A_307] : memref<10000x128xf32, #tpu.memory_space<hbm>> -> memref<10000x128xf32, #tpu.memory_space<hbm>>
          tpu.enqueue_indirect_dma source(%dma_start3A_308 : memref<10000x128xf32, #tpu.memory_space<hbm>>) target(%arg9 : memref<120x128xf32, #tpu.memory_space<vmem>>) offsets(%dma_start3A_305 : memref<120xi32, #tpu.memory_space<vmem>>) semaphore(%arg13 : memref<!tpu.dma_semaphore, #tpu.memory_space<semaphore_mem>>)
        } else {
        }
        %dma_wait3A_234 = arith.constant 0 : i32
        %dma_wait3A_235 = arith.constant 0 : i32
        %dma_wait3A_236 = tpu.memref_slice %arg2[%dma_wait3A_234, %dma_wait3A_235] : memref<10000x128xf32, #tpu.memory_space<hbm>> -> memref<120x128xf32, #tpu.memory_space<hbm>>
        %dma_wait3A_237 = arith.constant 0 : i32
        %dma_wait3A_238 = arith.constant 0 : i32
        %dma_wait3A_239 = tpu.memref_slice %arg2[%dma_wait3A_237, %dma_wait3A_238] : memref<10000x128xf32, #tpu.memory_space<hbm>> -> memref<120x128xf32, #tpu.memory_space<hbm>>
        tpu.wait_dma2 semaphore(%arg14 : memref<!tpu.dma_semaphore, #tpu.memory_space<semaphore_mem>>) src(%dma_wait3A_239 : memref<120x128xf32, #tpu.memory_space<hbm>>) dst(%arg10 : memref<120x128xf32, #tpu.memory_space<vmem>>)
        %dma_start3A_240 = arith.constant 9 : i32
        %dma_start3A_241 = arith.constant 0 : i32
        %dma_start3A_242 = tpu.memref_slice %arg7[%dma_start3A_240, %dma_start3A_241] : memref<16x120xi32, #tpu.memory_space<vmem>> -> memref<1x120xi32, #tpu.memory_space<vmem>>
        %dma_start3A_243 = tpu.memref_squeeze %dma_start3A_242 : memref<1x120xi32, #tpu.memory_space<vmem>> -> memref<120xi32, #tpu.memory_space<vmem>>
        %dma_start3A_244 = arith.constant 0 : i32
        %dma_start3A_245 = arith.constant 0 : i32
        %dma_start3A_246 = tpu.memref_slice %arg12[%dma_start3A_244, %dma_start3A_245] : memref<10008x128xf32, #tpu.memory_space<vmem_shared>> -> memref<10008x128xf32, #tpu.memory_space<vmem_shared>>
        tpu.enqueue_indirect_dma source(%arg10 : memref<120x128xf32, #tpu.memory_space<vmem>>) target(%dma_start3A_246 : memref<10008x128xf32, #tpu.memory_space<vmem_shared>>) offsets(%dma_start3A_243 : memref<120xi32, #tpu.memory_space<vmem>>) semaphore(%arg17 : memref<!tpu.dma_semaphore, #tpu.memory_space<semaphore_mem>>) {add = true}
        %dma_wait3A_247 = arith.constant 0 : i32
        %dma_wait3A_248 = arith.constant 0 : i32
        %dma_wait3A_249 = tpu.memref_slice %arg12[%dma_wait3A_247, %dma_wait3A_248] : memref<10008x128xf32, #tpu.memory_space<vmem_shared>> -> memref<120x128xf32, #tpu.memory_space<vmem_shared>>
        %dma_wait3A_250 = arith.constant 0 : i32
        %dma_wait3A_251 = arith.constant 0 : i32
        %dma_wait3A_252 = tpu.memref_slice %arg12[%dma_wait3A_250, %dma_wait3A_251] : memref<10008x128xf32, #tpu.memory_space<vmem_shared>> -> memref<120x128xf32, #tpu.memory_space<vmem_shared>>
        tpu.wait_dma2 semaphore(%arg17 : memref<!tpu.dma_semaphore, #tpu.memory_space<semaphore_mem>>) src(%arg10 : memref<120x128xf32, #tpu.memory_space<vmem>>) dst(%dma_wait3A_252 : memref<120x128xf32, #tpu.memory_space<vmem_shared>>)
        %eq3A_253 = arith.constant 0 : i32
        %eq3A_254 = arith.cmpi eq, %arg0, %eq3A_253 : i32
        %convert_element_type3A_255 = arith.extui %eq3A_254 : i1 to i32
        %cond3A_256 = arith.constant 0 : i32
        %cond3A_257 = arith.cmpi ne, %convert_element_type3A_255, %cond3A_256 : i32
        scf.if %cond3A_257 {
          %dma_start3A_302 = arith.constant 14 : i32
          %dma_start3A_303 = arith.constant 0 : i32
          %dma_start3A_304 = tpu.memref_slice %arg7[%dma_start3A_302, %dma_start3A_303] : memref<16x120xi32, #tpu.memory_space<vmem>> -> memref<1x120xi32, #tpu.memory_space<vmem>>
          %dma_start3A_305 = tpu.memref_squeeze %dma_start3A_304 : memref<1x120xi32, #tpu.memory_space<vmem>> -> memref<120xi32, #tpu.memory_space<vmem>>
          %dma_start3A_306 = arith.constant 0 : i32
          %dma_start3A_307 = arith.constant 0 : i32
          %dma_start3A_308 = tpu.memref_slice %arg2[%dma_start3A_306, %dma_start3A_307] : memref<10000x128xf32, #tpu.memory_space<hbm>> -> memref<10000x128xf32, #tpu.memory_space<hbm>>
          tpu.enqueue_indirect_dma source(%dma_start3A_308 : memref<10000x128xf32, #tpu.memory_space<hbm>>) target(%arg10 : memref<120x128xf32, #tpu.memory_space<vmem>>) offsets(%dma_start3A_305 : memref<120xi32, #tpu.memory_space<vmem>>) semaphore(%arg14 : memref<!tpu.dma_semaphore, #tpu.memory_space<semaphore_mem>>)
        } else {
        }
        %eq3A_258 = arith.constant 1 : i32
        %eq3A_259 = arith.cmpi eq, %arg0, %eq3A_258 : i32
        %convert_element_type3A_260 = arith.extui %eq3A_259 : i1 to i32
        %cond3A_261 = arith.constant 0 : i32
        %cond3A_262 = arith.cmpi ne, %convert_element_type3A_260, %cond3A_261 : i32
        scf.if %cond3A_262 {
          %dma_start3A_302 = arith.constant 14 : i32
          %dma_start3A_303 = arith.constant 0 : i32
          %dma_start3A_304 = tpu.memref_slice %arg7[%dma_start3A_302, %dma_start3A_303] : memref<16x120xi32, #tpu.memory_space<vmem>> -> memref<1x120xi32, #tpu.memory_space<vmem>>
          %dma_start3A_305 = tpu.memref_squeeze %dma_start3A_304 : memref<1x120xi32, #tpu.memory_space<vmem>> -> memref<120xi32, #tpu.memory_space<vmem>>
          %dma_start3A_306 = arith.constant 0 : i32
          %dma_start3A_307 = arith.constant 0 : i32
          %dma_start3A_308 = tpu.memref_slice %arg3[%dma_start3A_306, %dma_start3A_307] : memref<10000x128xf32, #tpu.memory_space<hbm>> -> memref<10000x128xf32, #tpu.memory_space<hbm>>
          tpu.enqueue_indirect_dma source(%dma_start3A_308 : memref<10000x128xf32, #tpu.memory_space<hbm>>) target(%arg10 : memref<120x128xf32, #tpu.memory_space<vmem>>) offsets(%dma_start3A_305 : memref<120xi32, #tpu.memory_space<vmem>>) semaphore(%arg14 : memref<!tpu.dma_semaphore, #tpu.memory_space<semaphore_mem>>)
        } else {
        }
        %dma_wait3A_263 = arith.constant 0 : i32
        %dma_wait3A_264 = arith.constant 0 : i32
        %dma_wait3A_265 = tpu.memref_slice %arg2[%dma_wait3A_263, %dma_wait3A_264] : memref<10000x128xf32, #tpu.memory_space<hbm>> -> memref<120x128xf32, #tpu.memory_space<hbm>>
        %dma_wait3A_266 = arith.constant 0 : i32
        %dma_wait3A_267 = arith.constant 0 : i32
        %dma_wait3A_268 = tpu.memref_slice %arg2[%dma_wait3A_266, %dma_wait3A_267] : memref<10000x128xf32, #tpu.memory_space<hbm>> -> memref<120x128xf32, #tpu.memory_space<hbm>>
        tpu.wait_dma2 semaphore(%arg15 : memref<!tpu.dma_semaphore, #tpu.memory_space<semaphore_mem>>) src(%dma_wait3A_268 : memref<120x128xf32, #tpu.memory_space<hbm>>) dst(%arg11 : memref<120x128xf32, #tpu.memory_space<vmem>>)
        %dma_start3A_269 = arith.constant 11 : i32
        %dma_start3A_270 = arith.constant 0 : i32
        %dma_start3A_271 = tpu.memref_slice %arg7[%dma_start3A_269, %dma_start3A_270] : memref<16x120xi32, #tpu.memory_space<vmem>> -> memref<1x120xi32, #tpu.memory_space<vmem>>
        %dma_start3A_272 = tpu.memref_squeeze %dma_start3A_271 : memref<1x120xi32, #tpu.memory_space<vmem>> -> memref<120xi32, #tpu.memory_space<vmem>>
        %dma_start3A_273 = arith.constant 0 : i32
        %dma_start3A_274 = arith.constant 0 : i32
        %dma_start3A_275 = tpu.memref_slice %arg12[%dma_start3A_273, %dma_start3A_274] : memref<10008x128xf32, #tpu.memory_space<vmem_shared>> -> memref<10008x128xf32, #tpu.memory_space<vmem_shared>>
        tpu.enqueue_indirect_dma source(%arg11 : memref<120x128xf32, #tpu.memory_space<vmem>>) target(%dma_start3A_275 : memref<10008x128xf32, #tpu.memory_space<vmem_shared>>) offsets(%dma_start3A_272 : memref<120xi32, #tpu.memory_space<vmem>>) semaphore(%arg18 : memref<!tpu.dma_semaphore, #tpu.memory_space<semaphore_mem>>) {add = true}
        %dma_wait3A_276 = arith.constant 0 : i32
        %dma_wait3A_277 = arith.constant 0 : i32
        %dma_wait3A_278 = tpu.memref_slice %arg2[%dma_wait3A_276, %dma_wait3A_277] : memref<10000x128xf32, #tpu.memory_space<hbm>> -> memref<120x128xf32, #tpu.memory_space<hbm>>
        %dma_wait3A_279 = arith.constant 0 : i32
        %dma_wait3A_280 = arith.constant 0 : i32
        %dma_wait3A_281 = tpu.memref_slice %arg2[%dma_wait3A_279, %dma_wait3A_280] : memref<10000x128xf32, #tpu.memory_space<hbm>> -> memref<120x128xf32, #tpu.memory_space<hbm>>
        tpu.wait_dma2 semaphore(%arg13 : memref<!tpu.dma_semaphore, #tpu.memory_space<semaphore_mem>>) src(%dma_wait3A_281 : memref<120x128xf32, #tpu.memory_space<hbm>>) dst(%arg9 : memref<120x128xf32, #tpu.memory_space<vmem>>)
        %dma_start3A_282 = arith.constant 13 : i32
        %dma_start3A_283 = arith.constant 0 : i32
        %dma_start3A_284 = tpu.memref_slice %arg7[%dma_start3A_282, %dma_start3A_283] : memref<16x120xi32, #tpu.memory_space<vmem>> -> memref<1x120xi32, #tpu.memory_space<vmem>>
        %dma_start3A_285 = tpu.memref_squeeze %dma_start3A_284 : memref<1x120xi32, #tpu.memory_space<vmem>> -> memref<120xi32, #tpu.memory_space<vmem>>
        %dma_start3A_286 = arith.constant 0 : i32
        %dma_start3A_287 = arith.constant 0 : i32
        %dma_start3A_288 = tpu.memref_slice %arg12[%dma_start3A_286, %dma_start3A_287] : memref<10008x128xf32, #tpu.memory_space<vmem_shared>> -> memref<10008x128xf32, #tpu.memory_space<vmem_shared>>
        tpu.enqueue_indirect_dma source(%arg9 : memref<120x128xf32, #tpu.memory_space<vmem>>) target(%dma_start3A_288 : memref<10008x128xf32, #tpu.memory_space<vmem_shared>>) offsets(%dma_start3A_285 : memref<120xi32, #tpu.memory_space<vmem>>) semaphore(%arg16 : memref<!tpu.dma_semaphore, #tpu.memory_space<semaphore_mem>>) {add = true}
        %dma_wait3A_289 = arith.constant 0 : i32
        %dma_wait3A_290 = arith.constant 0 : i32
        %dma_wait3A_291 = tpu.memref_slice %arg2[%dma_wait3A_289, %dma_wait3A_290] : memref<10000x128xf32, #tpu.memory_space<hbm>> -> memref<120x128xf32, #tpu.memory_space<hbm>>
        %dma_wait3A_292 = arith.constant 0 : i32
        %dma_wait3A_293 = arith.constant 0 : i32
        %dma_wait3A_294 = tpu.memref_slice %arg2[%dma_wait3A_292, %dma_wait3A_293] : memref<10000x128xf32, #tpu.memory_space<hbm>> -> memref<120x128xf32, #tpu.memory_space<hbm>>
        tpu.wait_dma2 semaphore(%arg14 : memref<!tpu.dma_semaphore, #tpu.memory_space<semaphore_mem>>) src(%dma_wait3A_294 : memref<120x128xf32, #tpu.memory_space<hbm>>) dst(%arg10 : memref<120x128xf32, #tpu.memory_space<vmem>>)
        %dma_start3A_295 = arith.constant 15 : i32
        %dma_start3A_296 = arith.constant 0 : i32
        %dma_start3A_297 = tpu.memref_slice %arg7[%dma_start3A_295, %dma_start3A_296] : memref<16x120xi32, #tpu.memory_space<vmem>> -> memref<1x120xi32, #tpu.memory_space<vmem>>
        %dma_start3A_298 = tpu.memref_squeeze %dma_start3A_297 : memref<1x120xi32, #tpu.memory_space<vmem>> -> memref<120xi32, #tpu.memory_space<vmem>>
        %dma_start3A_299 = arith.constant 0 : i32
        %dma_start3A_300 = arith.constant 0 : i32
        %dma_start3A_301 = tpu.memref_slice %arg12[%dma_start3A_299, %dma_start3A_300] : memref<10008x128xf32, #tpu.memory_space<vmem_shared>> -> memref<10008x128xf32, #tpu.memory_space<vmem_shared>>
        tpu.enqueue_indirect_dma source(%arg10 : memref<120x128xf32, #tpu.memory_space<vmem>>) target(%dma_start3A_301 : memref<10008x128xf32, #tpu.memory_space<vmem_shared>>) offsets(%dma_start3A_298 : memref<120xi32, #tpu.memory_space<vmem>>) semaphore(%arg17 : memref<!tpu.dma_semaphore, #tpu.memory_space<semaphore_mem>>) {add = true}
      } else {
      }
      %jit3A_57 = arith.constant 2 : i32
      %eq3A_58 = arith.constant 0 : i32
      %eq3A_59 = arith.cmpi eq, %jit3A_57, %eq3A_58 : i32
      %jit3A_60 = arith.constant 1 : i32
      %select_n3A_61 = arith.select %eq3A_59, %jit3A_60, %jit3A_57 : i32
      %rem3A_62 = arith.remsi %scan3A_41, %select_n3A_61 : i32
      %ne3A_63 = arith.constant 0 : i32
      %ne3A_64 = arith.cmpi ne, %rem3A_62, %ne3A_63 : i32
      %lt3A_65 = arith.constant 0 : i32
      %lt3A_66 = arith.cmpi slt, %rem3A_62, %lt3A_65 : i32
      %lt3A_67 = arith.constant 0 : i32
      %lt3A_68 = arith.cmpi slt, %select_n3A_61, %lt3A_67 : i32
      %ne3A_69 = arith.xori %lt3A_66, %lt3A_68 : i1
      %and3A_70 = arith.andi %ne3A_69, %ne3A_64 : i1
      %add3A_71 = arith.addi %rem3A_62, %select_n3A_61 : i32
      %select_n3A_72 = arith.select %and3A_70, %add3A_71, %rem3A_62 : i32
      %eq3A_73 = arith.constant 1 : i32
      %eq3A_74 = arith.cmpi eq, %select_n3A_72, %eq3A_73 : i32
      %convert_element_type3A_75 = arith.extui %eq3A_74 : i1 to i32
      %cond3A_76 = arith.constant 0 : i32
      %cond3A_77 = arith.cmpi ne, %convert_element_type3A_75, %cond3A_76 : i32
      scf.if %cond3A_77 {
        %gt3A = arith.constant 0 : i32
        %gt3A_78 = arith.cmpi sgt, %scan3A_41, %gt3A : i32
        %convert_element_type3A_79 = arith.extui %gt3A_78 : i1 to i32
        %cond3A_80 = arith.constant 0 : i32
        %cond3A_81 = arith.cmpi ne, %convert_element_type3A_79, %cond3A_80 : i32
        scf.if %cond3A_81 {
          %dma_wait3A_302 = arith.constant 0 : i32
          %dma_wait3A_303 = arith.constant 0 : i32
          %dma_wait3A_304 = tpu.memref_slice %arg12[%dma_wait3A_302, %dma_wait3A_303] : memref<10008x128xf32, #tpu.memory_space<vmem_shared>> -> memref<120x128xf32, #tpu.memory_space<vmem_shared>>
          %dma_wait3A_305 = arith.constant 0 : i32
          %dma_wait3A_306 = arith.constant 0 : i32
          %dma_wait3A_307 = tpu.memref_slice %arg12[%dma_wait3A_305, %dma_wait3A_306] : memref<10008x128xf32, #tpu.memory_space<vmem_shared>> -> memref<120x128xf32, #tpu.memory_space<vmem_shared>>
          tpu.wait_dma2 semaphore(%arg16 : memref<!tpu.dma_semaphore, #tpu.memory_space<semaphore_mem>>) src(%arg9 : memref<120x128xf32, #tpu.memory_space<vmem>>) dst(%dma_wait3A_307 : memref<120x128xf32, #tpu.memory_space<vmem_shared>>)
          %dma_wait3A_308 = arith.constant 0 : i32
          %dma_wait3A_309 = arith.constant 0 : i32
          %dma_wait3A_310 = tpu.memref_slice %arg12[%dma_wait3A_308, %dma_wait3A_309] : memref<10008x128xf32, #tpu.memory_space<vmem_shared>> -> memref<120x128xf32, #tpu.memory_space<vmem_shared>>
          %dma_wait3A_311 = arith.constant 0 : i32
          %dma_wait3A_312 = arith.constant 0 : i32
          %dma_wait3A_313 = tpu.memref_slice %arg12[%dma_wait3A_311, %dma_wait3A_312] : memref<10008x128xf32, #tpu.memory_space<vmem_shared>> -> memref<120x128xf32, #tpu.memory_space<vmem_shared>>
          tpu.wait_dma2 semaphore(%arg17 : memref<!tpu.dma_semaphore, #tpu.memory_space<semaphore_mem>>) src(%arg10 : memref<120x128xf32, #tpu.memory_space<vmem>>) dst(%dma_wait3A_313 : memref<120x128xf32, #tpu.memory_space<vmem_shared>>)
          %dma_wait3A_314 = arith.constant 0 : i32
          %dma_wait3A_315 = arith.constant 0 : i32
          %dma_wait3A_316 = tpu.memref_slice %arg12[%dma_wait3A_314, %dma_wait3A_315] : memref<10008x128xf32, #tpu.memory_space<vmem_shared>> -> memref<120x128xf32, #tpu.memory_space<vmem_shared>>
          %dma_wait3A_317 = arith.constant 0 : i32
          %dma_wait3A_318 = arith.constant 0 : i32
          %dma_wait3A_319 = tpu.memref_slice %arg12[%dma_wait3A_317, %dma_wait3A_318] : memref<10008x128xf32, #tpu.memory_space<vmem_shared>> -> memref<120x128xf32, #tpu.memory_space<vmem_shared>>
          tpu.wait_dma2 semaphore(%arg18 : memref<!tpu.dma_semaphore, #tpu.memory_space<semaphore_mem>>) src(%arg11 : memref<120x128xf32, #tpu.memory_space<vmem>>) dst(%dma_wait3A_319 : memref<120x128xf32, #tpu.memory_space<vmem_shared>>)
          %dma_wait3A_320 = arith.constant 0 : i32
          %dma_wait3A_321 = arith.constant 0 : i32
          %dma_wait3A_322 = tpu.memref_slice %arg4[%add3A, %dma_wait3A_320, %dma_wait3A_321] : memref<32x176x120xi32, #tpu.memory_space<hbm>> -> memref<1x16x120xi32, #tpu.memory_space<hbm>>
          %dma_wait3A_323 = tpu.memref_squeeze %dma_wait3A_322 : memref<1x16x120xi32, #tpu.memory_space<hbm>> -> memref<16x120xi32, #tpu.memory_space<hbm>>
          %dma_wait3A_324 = arith.constant 0 : i32
          %dma_wait3A_325 = arith.constant 0 : i32
          %dma_wait3A_326 = tpu.memref_slice %arg4[%add3A, %dma_wait3A_324, %dma_wait3A_325] : memref<32x176x120xi32, #tpu.memory_space<hbm>> -> memref<1x16x120xi32, #tpu.memory_space<hbm>>
          %dma_wait3A_327 = tpu.memref_squeeze %dma_wait3A_326 : memref<1x16x120xi32, #tpu.memory_space<hbm>> -> memref<16x120xi32, #tpu.memory_space<hbm>>
          tpu.wait_dma2 semaphore(%arg19 : memref<!tpu.dma_semaphore, #tpu.memory_space<semaphore_mem>>) src(%dma_wait3A_327 : memref<16x120xi32, #tpu.memory_space<hbm>>) dst(%arg8 : memref<16x120xi32, #tpu.memory_space<vmem>>)
        } else {
        }
        %add3A_82 = arith.constant 1 : i32
        %add3A_83 = arith.addi %scan3A_41, %add3A_82 : i32
        %lt3A_84 = arith.constant 11 : i32
        %lt3A_85 = arith.cmpi slt, %add3A_83, %lt3A_84 : i32
        %convert_element_type3A_86 = arith.extui %lt3A_85 : i1 to i32
        %cond3A_87 = arith.constant 0 : i32
        %cond3A_88 = arith.cmpi ne, %convert_element_type3A_86, %cond3A_87 : i32
        scf.if %cond3A_88 {
          %add3A_302 = arith.constant 1 : i32
          %add3A_303 = arith.addi %scan3A_41, %add3A_302 : i32
          %mul3A_304 = arith.constant 2 : i32
          %mul3A_305 = arith.muli %add3A_303, %mul3A_304 : i32
          %mul3A_306 = arith.constant 8 : i32
          %mul3A_307 = arith.muli %mul3A_305, %mul3A_306 : i32
          %dma_start3A_308 = arith.constant 0 : i32
          %dma_start3A_309 = tpu.memref_slice %arg4[%add3A, %mul3A_307, %dma_start3A_308] : memref<32x176x120xi32, #tpu.memory_space<hbm>> -> memref<1x16x120xi32, #tpu.memory_space<hbm>>
          %dma_start3A_310 = tpu.memref_squeeze %dma_start3A_309 : memref<1x16x120xi32, #tpu.memory_space<hbm>> -> memref<16x120xi32, #tpu.memory_space<hbm>>
          %dma_start3A_311 = arith.constant 0 : i32
          %dma_start3A_312 = tpu.memref_slice %arg4[%add3A, %mul3A_307, %dma_start3A_311] : memref<32x176x120xi32, #tpu.memory_space<hbm>> -> memref<1x16x120xi32, #tpu.memory_space<hbm>>
          %dma_start3A_313 = tpu.memref_squeeze %dma_start3A_312 : memref<1x16x120xi32, #tpu.memory_space<hbm>> -> memref<16x120xi32, #tpu.memory_space<hbm>>
          tpu.enqueue_dma source(%dma_start3A_313 : memref<16x120xi32, #tpu.memory_space<hbm>>) target(%arg7 : memref<16x120xi32, #tpu.memory_space<vmem>>) target_semaphore(%arg19 : memref<!tpu.dma_semaphore, #tpu.memory_space<semaphore_mem>>)
        } else {
        }
        %eq3A_89 = arith.constant 0 : i32
        %eq3A_90 = arith.cmpi eq, %arg0, %eq3A_89 : i32
        %convert_element_type3A_91 = arith.extui %eq3A_90 : i1 to i32
        %cond3A_92 = arith.constant 0 : i32
        %cond3A_93 = arith.cmpi ne, %convert_element_type3A_91, %cond3A_92 : i32
        scf.if %cond3A_93 {
          %dma_start3A_302 = arith.constant 0 : i32
          %dma_start3A_303 = arith.constant 0 : i32
          %dma_start3A_304 = tpu.memref_slice %arg8[%dma_start3A_302, %dma_start3A_303] : memref<16x120xi32, #tpu.memory_space<vmem>> -> memref<1x120xi32, #tpu.memory_space<vmem>>
          %dma_start3A_305 = tpu.memref_squeeze %dma_start3A_304 : memref<1x120xi32, #tpu.memory_space<vmem>> -> memref<120xi32, #tpu.memory_space<vmem>>
          %dma_start3A_306 = arith.constant 0 : i32
          %dma_start3A_307 = arith.constant 0 : i32
          %dma_start3A_308 = tpu.memref_slice %arg2[%dma_start3A_306, %dma_start3A_307] : memref<10000x128xf32, #tpu.memory_space<hbm>> -> memref<10000x128xf32, #tpu.memory_space<hbm>>
          tpu.enqueue_indirect_dma source(%dma_start3A_308 : memref<10000x128xf32, #tpu.memory_space<hbm>>) target(%arg9 : memref<120x128xf32, #tpu.memory_space<vmem>>) offsets(%dma_start3A_305 : memref<120xi32, #tpu.memory_space<vmem>>) semaphore(%arg13 : memref<!tpu.dma_semaphore, #tpu.memory_space<semaphore_mem>>)
        } else {
        }
        %eq3A_94 = arith.constant 1 : i32
        %eq3A_95 = arith.cmpi eq, %arg0, %eq3A_94 : i32
        %convert_element_type3A_96 = arith.extui %eq3A_95 : i1 to i32
        %cond3A_97 = arith.constant 0 : i32
        %cond3A_98 = arith.cmpi ne, %convert_element_type3A_96, %cond3A_97 : i32
        scf.if %cond3A_98 {
          %dma_start3A_302 = arith.constant 0 : i32
          %dma_start3A_303 = arith.constant 0 : i32
          %dma_start3A_304 = tpu.memref_slice %arg8[%dma_start3A_302, %dma_start3A_303] : memref<16x120xi32, #tpu.memory_space<vmem>> -> memref<1x120xi32, #tpu.memory_space<vmem>>
          %dma_start3A_305 = tpu.memref_squeeze %dma_start3A_304 : memref<1x120xi32, #tpu.memory_space<vmem>> -> memref<120xi32, #tpu.memory_space<vmem>>
          %dma_start3A_306 = arith.constant 0 : i32
          %dma_start3A_307 = arith.constant 0 : i32
          %dma_start3A_308 = tpu.memref_slice %arg3[%dma_start3A_306, %dma_start3A_307] : memref<10000x128xf32, #tpu.memory_space<hbm>> -> memref<10000x128xf32, #tpu.memory_space<hbm>>
          tpu.enqueue_indirect_dma source(%dma_start3A_308 : memref<10000x128xf32, #tpu.memory_space<hbm>>) target(%arg9 : memref<120x128xf32, #tpu.memory_space<vmem>>) offsets(%dma_start3A_305 : memref<120xi32, #tpu.memory_space<vmem>>) semaphore(%arg13 : memref<!tpu.dma_semaphore, #tpu.memory_space<semaphore_mem>>)
        } else {
        }
        %eq3A_99 = arith.constant 0 : i32
        %eq3A_100 = arith.cmpi eq, %arg0, %eq3A_99 : i32
        %convert_element_type3A_101 = arith.extui %eq3A_100 : i1 to i32
        %cond3A_102 = arith.constant 0 : i32
        %cond3A_103 = arith.cmpi ne, %convert_element_type3A_101, %cond3A_102 : i32
        scf.if %cond3A_103 {
          %dma_start3A_302 = arith.constant 2 : i32
          %dma_start3A_303 = arith.constant 0 : i32
          %dma_start3A_304 = tpu.memref_slice %arg8[%dma_start3A_302, %dma_start3A_303] : memref<16x120xi32, #tpu.memory_space<vmem>> -> memref<1x120xi32, #tpu.memory_space<vmem>>
          %dma_start3A_305 = tpu.memref_squeeze %dma_start3A_304 : memref<1x120xi32, #tpu.memory_space<vmem>> -> memref<120xi32, #tpu.memory_space<vmem>>
          %dma_start3A_306 = arith.constant 0 : i32
          %dma_start3A_307 = arith.constant 0 : i32
          %dma_start3A_308 = tpu.memref_slice %arg2[%dma_start3A_306, %dma_start3A_307] : memref<10000x128xf32, #tpu.memory_space<hbm>> -> memref<10000x128xf32, #tpu.memory_space<hbm>>
          tpu.enqueue_indirect_dma source(%dma_start3A_308 : memref<10000x128xf32, #tpu.memory_space<hbm>>) target(%arg10 : memref<120x128xf32, #tpu.memory_space<vmem>>) offsets(%dma_start3A_305 : memref<120xi32, #tpu.memory_space<vmem>>) semaphore(%arg14 : memref<!tpu.dma_semaphore, #tpu.memory_space<semaphore_mem>>)
        } else {
        }
        %eq3A_104 = arith.constant 1 : i32
        %eq3A_105 = arith.cmpi eq, %arg0, %eq3A_104 : i32
        %convert_element_type3A_106 = arith.extui %eq3A_105 : i1 to i32
        %cond3A_107 = arith.constant 0 : i32
        %cond3A_108 = arith.cmpi ne, %convert_element_type3A_106, %cond3A_107 : i32
        scf.if %cond3A_108 {
          %dma_start3A_302 = arith.constant 2 : i32
          %dma_start3A_303 = arith.constant 0 : i32
          %dma_start3A_304 = tpu.memref_slice %arg8[%dma_start3A_302, %dma_start3A_303] : memref<16x120xi32, #tpu.memory_space<vmem>> -> memref<1x120xi32, #tpu.memory_space<vmem>>
          %dma_start3A_305 = tpu.memref_squeeze %dma_start3A_304 : memref<1x120xi32, #tpu.memory_space<vmem>> -> memref<120xi32, #tpu.memory_space<vmem>>
          %dma_start3A_306 = arith.constant 0 : i32
          %dma_start3A_307 = arith.constant 0 : i32
          %dma_start3A_308 = tpu.memref_slice %arg3[%dma_start3A_306, %dma_start3A_307] : memref<10000x128xf32, #tpu.memory_space<hbm>> -> memref<10000x128xf32, #tpu.memory_space<hbm>>
          tpu.enqueue_indirect_dma source(%dma_start3A_308 : memref<10000x128xf32, #tpu.memory_space<hbm>>) target(%arg10 : memref<120x128xf32, #tpu.memory_space<vmem>>) offsets(%dma_start3A_305 : memref<120xi32, #tpu.memory_space<vmem>>) semaphore(%arg14 : memref<!tpu.dma_semaphore, #tpu.memory_space<semaphore_mem>>)
        } else {
        }
        %eq3A_109 = arith.constant 0 : i32
        %eq3A_110 = arith.cmpi eq, %arg0, %eq3A_109 : i32
        %convert_element_type3A_111 = arith.extui %eq3A_110 : i1 to i32
        %cond3A_112 = arith.constant 0 : i32
        %cond3A_113 = arith.cmpi ne, %convert_element_type3A_111, %cond3A_112 : i32
        scf.if %cond3A_113 {
          %dma_start3A_302 = arith.constant 4 : i32
          %dma_start3A_303 = arith.constant 0 : i32
          %dma_start3A_304 = tpu.memref_slice %arg8[%dma_start3A_302, %dma_start3A_303] : memref<16x120xi32, #tpu.memory_space<vmem>> -> memref<1x120xi32, #tpu.memory_space<vmem>>
          %dma_start3A_305 = tpu.memref_squeeze %dma_start3A_304 : memref<1x120xi32, #tpu.memory_space<vmem>> -> memref<120xi32, #tpu.memory_space<vmem>>
          %dma_start3A_306 = arith.constant 0 : i32
          %dma_start3A_307 = arith.constant 0 : i32
          %dma_start3A_308 = tpu.memref_slice %arg2[%dma_start3A_306, %dma_start3A_307] : memref<10000x128xf32, #tpu.memory_space<hbm>> -> memref<10000x128xf32, #tpu.memory_space<hbm>>
          tpu.enqueue_indirect_dma source(%dma_start3A_308 : memref<10000x128xf32, #tpu.memory_space<hbm>>) target(%arg11 : memref<120x128xf32, #tpu.memory_space<vmem>>) offsets(%dma_start3A_305 : memref<120xi32, #tpu.memory_space<vmem>>) semaphore(%arg15 : memref<!tpu.dma_semaphore, #tpu.memory_space<semaphore_mem>>)
        } else {
        }
        %eq3A_114 = arith.constant 1 : i32
        %eq3A_115 = arith.cmpi eq, %arg0, %eq3A_114 : i32
        %convert_element_type3A_116 = arith.extui %eq3A_115 : i1 to i32
        %cond3A_117 = arith.constant 0 : i32
        %cond3A_118 = arith.cmpi ne, %convert_element_type3A_116, %cond3A_117 : i32
        scf.if %cond3A_118 {
          %dma_start3A_302 = arith.constant 4 : i32
          %dma_start3A_303 = arith.constant 0 : i32
          %dma_start3A_304 = tpu.memref_slice %arg8[%dma_start3A_302, %dma_start3A_303] : memref<16x120xi32, #tpu.memory_space<vmem>> -> memref<1x120xi32, #tpu.memory_space<vmem>>
          %dma_start3A_305 = tpu.memref_squeeze %dma_start3A_304 : memref<1x120xi32, #tpu.memory_space<vmem>> -> memref<120xi32, #tpu.memory_space<vmem>>
          %dma_start3A_306 = arith.constant 0 : i32
          %dma_start3A_307 = arith.constant 0 : i32
          %dma_start3A_308 = tpu.memref_slice %arg3[%dma_start3A_306, %dma_start3A_307] : memref<10000x128xf32, #tpu.memory_space<hbm>> -> memref<10000x128xf32, #tpu.memory_space<hbm>>
          tpu.enqueue_indirect_dma source(%dma_start3A_308 : memref<10000x128xf32, #tpu.memory_space<hbm>>) target(%arg11 : memref<120x128xf32, #tpu.memory_space<vmem>>) offsets(%dma_start3A_305 : memref<120xi32, #tpu.memory_space<vmem>>) semaphore(%arg15 : memref<!tpu.dma_semaphore, #tpu.memory_space<semaphore_mem>>)
        } else {
        }
        %dma_wait3A_119 = arith.constant 0 : i32
        %dma_wait3A_120 = arith.constant 0 : i32
        %dma_wait3A_121 = tpu.memref_slice %arg2[%dma_wait3A_119, %dma_wait3A_120] : memref<10000x128xf32, #tpu.memory_space<hbm>> -> memref<120x128xf32, #tpu.memory_space<hbm>>
        %dma_wait3A_122 = arith.constant 0 : i32
        %dma_wait3A_123 = arith.constant 0 : i32
        %dma_wait3A_124 = tpu.memref_slice %arg2[%dma_wait3A_122, %dma_wait3A_123] : memref<10000x128xf32, #tpu.memory_space<hbm>> -> memref<120x128xf32, #tpu.memory_space<hbm>>
        tpu.wait_dma2 semaphore(%arg13 : memref<!tpu.dma_semaphore, #tpu.memory_space<semaphore_mem>>) src(%dma_wait3A_124 : memref<120x128xf32, #tpu.memory_space<hbm>>) dst(%arg9 : memref<120x128xf32, #tpu.memory_space<vmem>>)
        %dma_start3A = arith.constant 1 : i32
        %dma_start3A_125 = arith.constant 0 : i32
        %dma_start3A_126 = tpu.memref_slice %arg8[%dma_start3A, %dma_start3A_125] : memref<16x120xi32, #tpu.memory_space<vmem>> -> memref<1x120xi32, #tpu.memory_space<vmem>>
        %dma_start3A_127 = tpu.memref_squeeze %dma_start3A_126 : memref<1x120xi32, #tpu.memory_space<vmem>> -> memref<120xi32, #tpu.memory_space<vmem>>
        %dma_start3A_128 = arith.constant 0 : i32
        %dma_start3A_129 = arith.constant 0 : i32
        %dma_start3A_130 = tpu.memref_slice %arg12[%dma_start3A_128, %dma_start3A_129] : memref<10008x128xf32, #tpu.memory_space<vmem_shared>> -> memref<10008x128xf32, #tpu.memory_space<vmem_shared>>
        tpu.enqueue_indirect_dma source(%arg9 : memref<120x128xf32, #tpu.memory_space<vmem>>) target(%dma_start3A_130 : memref<10008x128xf32, #tpu.memory_space<vmem_shared>>) offsets(%dma_start3A_127 : memref<120xi32, #tpu.memory_space<vmem>>) semaphore(%arg16 : memref<!tpu.dma_semaphore, #tpu.memory_space<semaphore_mem>>) {add = true}
        %dma_wait3A_131 = arith.constant 0 : i32
        %dma_wait3A_132 = arith.constant 0 : i32
        %dma_wait3A_133 = tpu.memref_slice %arg12[%dma_wait3A_131, %dma_wait3A_132] : memref<10008x128xf32, #tpu.memory_space<vmem_shared>> -> memref<120x128xf32, #tpu.memory_space<vmem_shared>>
        %dma_wait3A_134 = arith.constant 0 : i32
        %dma_wait3A_135 = arith.constant 0 : i32
        %dma_wait3A_136 = tpu.memref_slice %arg12[%dma_wait3A_134, %dma_wait3A_135] : memref<10008x128xf32, #tpu.memory_space<vmem_shared>> -> memref<120x128xf32, #tpu.memory_space<vmem_shared>>
        tpu.wait_dma2 semaphore(%arg16 : memref<!tpu.dma_semaphore, #tpu.memory_space<semaphore_mem>>) src(%arg9 : memref<120x128xf32, #tpu.memory_space<vmem>>) dst(%dma_wait3A_136 : memref<120x128xf32, #tpu.memory_space<vmem_shared>>)
        %eq3A_137 = arith.constant 0 : i32
        %eq3A_138 = arith.cmpi eq, %arg0, %eq3A_137 : i32
        %convert_element_type3A_139 = arith.extui %eq3A_138 : i1 to i32
        %cond3A_140 = arith.constant 0 : i32
        %cond3A_141 = arith.cmpi ne, %convert_element_type3A_139, %cond3A_140 : i32
        scf.if %cond3A_141 {
          %dma_start3A_302 = arith.constant 6 : i32
          %dma_start3A_303 = arith.constant 0 : i32
          %dma_start3A_304 = tpu.memref_slice %arg8[%dma_start3A_302, %dma_start3A_303] : memref<16x120xi32, #tpu.memory_space<vmem>> -> memref<1x120xi32, #tpu.memory_space<vmem>>
          %dma_start3A_305 = tpu.memref_squeeze %dma_start3A_304 : memref<1x120xi32, #tpu.memory_space<vmem>> -> memref<120xi32, #tpu.memory_space<vmem>>
          %dma_start3A_306 = arith.constant 0 : i32
          %dma_start3A_307 = arith.constant 0 : i32
          %dma_start3A_308 = tpu.memref_slice %arg2[%dma_start3A_306, %dma_start3A_307] : memref<10000x128xf32, #tpu.memory_space<hbm>> -> memref<10000x128xf32, #tpu.memory_space<hbm>>
          tpu.enqueue_indirect_dma source(%dma_start3A_308 : memref<10000x128xf32, #tpu.memory_space<hbm>>) target(%arg9 : memref<120x128xf32, #tpu.memory_space<vmem>>) offsets(%dma_start3A_305 : memref<120xi32, #tpu.memory_space<vmem>>) semaphore(%arg13 : memref<!tpu.dma_semaphore, #tpu.memory_space<semaphore_mem>>)
        } else {
        }
        %eq3A_142 = arith.constant 1 : i32
        %eq3A_143 = arith.cmpi eq, %arg0, %eq3A_142 : i32
        %convert_element_type3A_144 = arith.extui %eq3A_143 : i1 to i32
        %cond3A_145 = arith.constant 0 : i32
        %cond3A_146 = arith.cmpi ne, %convert_element_type3A_144, %cond3A_145 : i32
        scf.if %cond3A_146 {
          %dma_start3A_302 = arith.constant 6 : i32
          %dma_start3A_303 = arith.constant 0 : i32
          %dma_start3A_304 = tpu.memref_slice %arg8[%dma_start3A_302, %dma_start3A_303] : memref<16x120xi32, #tpu.memory_space<vmem>> -> memref<1x120xi32, #tpu.memory_space<vmem>>
          %dma_start3A_305 = tpu.memref_squeeze %dma_start3A_304 : memref<1x120xi32, #tpu.memory_space<vmem>> -> memref<120xi32, #tpu.memory_space<vmem>>
          %dma_start3A_306 = arith.constant 0 : i32
          %dma_start3A_307 = arith.constant 0 : i32
          %dma_start3A_308 = tpu.memref_slice %arg3[%dma_start3A_306, %dma_start3A_307] : memref<10000x128xf32, #tpu.memory_space<hbm>> -> memref<10000x128xf32, #tpu.memory_space<hbm>>
          tpu.enqueue_indirect_dma source(%dma_start3A_308 : memref<10000x128xf32, #tpu.memory_space<hbm>>) target(%arg9 : memref<120x128xf32, #tpu.memory_space<vmem>>) offsets(%dma_start3A_305 : memref<120xi32, #tpu.memory_space<vmem>>) semaphore(%arg13 : memref<!tpu.dma_semaphore, #tpu.memory_space<semaphore_mem>>)
        } else {
        }
        %dma_wait3A_147 = arith.constant 0 : i32
        %dma_wait3A_148 = arith.constant 0 : i32
        %dma_wait3A_149 = tpu.memref_slice %arg2[%dma_wait3A_147, %dma_wait3A_148] : memref<10000x128xf32, #tpu.memory_space<hbm>> -> memref<120x128xf32, #tpu.memory_space<hbm>>
        %dma_wait3A_150 = arith.constant 0 : i32
        %dma_wait3A_151 = arith.constant 0 : i32
        %dma_wait3A_152 = tpu.memref_slice %arg2[%dma_wait3A_150, %dma_wait3A_151] : memref<10000x128xf32, #tpu.memory_space<hbm>> -> memref<120x128xf32, #tpu.memory_space<hbm>>
        tpu.wait_dma2 semaphore(%arg14 : memref<!tpu.dma_semaphore, #tpu.memory_space<semaphore_mem>>) src(%dma_wait3A_152 : memref<120x128xf32, #tpu.memory_space<hbm>>) dst(%arg10 : memref<120x128xf32, #tpu.memory_space<vmem>>)
        %dma_start3A_153 = arith.constant 3 : i32
        %dma_start3A_154 = arith.constant 0 : i32
        %dma_start3A_155 = tpu.memref_slice %arg8[%dma_start3A_153, %dma_start3A_154] : memref<16x120xi32, #tpu.memory_space<vmem>> -> memref<1x120xi32, #tpu.memory_space<vmem>>
        %dma_start3A_156 = tpu.memref_squeeze %dma_start3A_155 : memref<1x120xi32, #tpu.memory_space<vmem>> -> memref<120xi32, #tpu.memory_space<vmem>>
        %dma_start3A_157 = arith.constant 0 : i32
        %dma_start3A_158 = arith.constant 0 : i32
        %dma_start3A_159 = tpu.memref_slice %arg12[%dma_start3A_157, %dma_start3A_158] : memref<10008x128xf32, #tpu.memory_space<vmem_shared>> -> memref<10008x128xf32, #tpu.memory_space<vmem_shared>>
        tpu.enqueue_indirect_dma source(%arg10 : memref<120x128xf32, #tpu.memory_space<vmem>>) target(%dma_start3A_159 : memref<10008x128xf32, #tpu.memory_space<vmem_shared>>) offsets(%dma_start3A_156 : memref<120xi32, #tpu.memory_space<vmem>>) semaphore(%arg17 : memref<!tpu.dma_semaphore, #tpu.memory_space<semaphore_mem>>) {add = true}
        %dma_wait3A_160 = arith.constant 0 : i32
        %dma_wait3A_161 = arith.constant 0 : i32
        %dma_wait3A_162 = tpu.memref_slice %arg12[%dma_wait3A_160, %dma_wait3A_161] : memref<10008x128xf32, #tpu.memory_space<vmem_shared>> -> memref<120x128xf32, #tpu.memory_space<vmem_shared>>
        %dma_wait3A_163 = arith.constant 0 : i32
        %dma_wait3A_164 = arith.constant 0 : i32
        %dma_wait3A_165 = tpu.memref_slice %arg12[%dma_wait3A_163, %dma_wait3A_164] : memref<10008x128xf32, #tpu.memory_space<vmem_shared>> -> memref<120x128xf32, #tpu.memory_space<vmem_shared>>
        tpu.wait_dma2 semaphore(%arg17 : memref<!tpu.dma_semaphore, #tpu.memory_space<semaphore_mem>>) src(%arg10 : memref<120x128xf32, #tpu.memory_space<vmem>>) dst(%dma_wait3A_165 : memref<120x128xf32, #tpu.memory_space<vmem_shared>>)
        %eq3A_166 = arith.constant 0 : i32
        %eq3A_167 = arith.cmpi eq, %arg0, %eq3A_166 : i32
        %convert_element_type3A_168 = arith.extui %eq3A_167 : i1 to i32
        %cond3A_169 = arith.constant 0 : i32
        %cond3A_170 = arith.cmpi ne, %convert_element_type3A_168, %cond3A_169 : i32
        scf.if %cond3A_170 {
          %dma_start3A_302 = arith.constant 8 : i32
          %dma_start3A_303 = arith.constant 0 : i32
          %dma_start3A_304 = tpu.memref_slice %arg8[%dma_start3A_302, %dma_start3A_303] : memref<16x120xi32, #tpu.memory_space<vmem>> -> memref<1x120xi32, #tpu.memory_space<vmem>>
          %dma_start3A_305 = tpu.memref_squeeze %dma_start3A_304 : memref<1x120xi32, #tpu.memory_space<vmem>> -> memref<120xi32, #tpu.memory_space<vmem>>
          %dma_start3A_306 = arith.constant 0 : i32
          %dma_start3A_307 = arith.constant 0 : i32
          %dma_start3A_308 = tpu.memref_slice %arg2[%dma_start3A_306, %dma_start3A_307] : memref<10000x128xf32, #tpu.memory_space<hbm>> -> memref<10000x128xf32, #tpu.memory_space<hbm>>
          tpu.enqueue_indirect_dma source(%dma_start3A_308 : memref<10000x128xf32, #tpu.memory_space<hbm>>) target(%arg10 : memref<120x128xf32, #tpu.memory_space<vmem>>) offsets(%dma_start3A_305 : memref<120xi32, #tpu.memory_space<vmem>>) semaphore(%arg14 : memref<!tpu.dma_semaphore, #tpu.memory_space<semaphore_mem>>)
        } else {
        }
        %eq3A_171 = arith.constant 1 : i32
        %eq3A_172 = arith.cmpi eq, %arg0, %eq3A_171 : i32
        %convert_element_type3A_173 = arith.extui %eq3A_172 : i1 to i32
        %cond3A_174 = arith.constant 0 : i32
        %cond3A_175 = arith.cmpi ne, %convert_element_type3A_173, %cond3A_174 : i32
        scf.if %cond3A_175 {
          %dma_start3A_302 = arith.constant 8 : i32
          %dma_start3A_303 = arith.constant 0 : i32
          %dma_start3A_304 = tpu.memref_slice %arg8[%dma_start3A_302, %dma_start3A_303] : memref<16x120xi32, #tpu.memory_space<vmem>> -> memref<1x120xi32, #tpu.memory_space<vmem>>
          %dma_start3A_305 = tpu.memref_squeeze %dma_start3A_304 : memref<1x120xi32, #tpu.memory_space<vmem>> -> memref<120xi32, #tpu.memory_space<vmem>>
          %dma_start3A_306 = arith.constant 0 : i32
          %dma_start3A_307 = arith.constant 0 : i32
          %dma_start3A_308 = tpu.memref_slice %arg3[%dma_start3A_306, %dma_start3A_307] : memref<10000x128xf32, #tpu.memory_space<hbm>> -> memref<10000x128xf32, #tpu.memory_space<hbm>>
          tpu.enqueue_indirect_dma source(%dma_start3A_308 : memref<10000x128xf32, #tpu.memory_space<hbm>>) target(%arg10 : memref<120x128xf32, #tpu.memory_space<vmem>>) offsets(%dma_start3A_305 : memref<120xi32, #tpu.memory_space<vmem>>) semaphore(%arg14 : memref<!tpu.dma_semaphore, #tpu.memory_space<semaphore_mem>>)
        } else {
        }
        %dma_wait3A_176 = arith.constant 0 : i32
        %dma_wait3A_177 = arith.constant 0 : i32
        %dma_wait3A_178 = tpu.memref_slice %arg2[%dma_wait3A_176, %dma_wait3A_177] : memref<10000x128xf32, #tpu.memory_space<hbm>> -> memref<120x128xf32, #tpu.memory_space<hbm>>
        %dma_wait3A_179 = arith.constant 0 : i32
        %dma_wait3A_180 = arith.constant 0 : i32
        %dma_wait3A_181 = tpu.memref_slice %arg2[%dma_wait3A_179, %dma_wait3A_180] : memref<10000x128xf32, #tpu.memory_space<hbm>> -> memref<120x128xf32, #tpu.memory_space<hbm>>
        tpu.wait_dma2 semaphore(%arg15 : memref<!tpu.dma_semaphore, #tpu.memory_space<semaphore_mem>>) src(%dma_wait3A_181 : memref<120x128xf32, #tpu.memory_space<hbm>>) dst(%arg11 : memref<120x128xf32, #tpu.memory_space<vmem>>)
        %dma_start3A_182 = arith.constant 5 : i32
        %dma_start3A_183 = arith.constant 0 : i32
        %dma_start3A_184 = tpu.memref_slice %arg8[%dma_start3A_182, %dma_start3A_183] : memref<16x120xi32, #tpu.memory_space<vmem>> -> memref<1x120xi32, #tpu.memory_space<vmem>>
        %dma_start3A_185 = tpu.memref_squeeze %dma_start3A_184 : memref<1x120xi32, #tpu.memory_space<vmem>> -> memref<120xi32, #tpu.memory_space<vmem>>
        %dma_start3A_186 = arith.constant 0 : i32
        %dma_start3A_187 = arith.constant 0 : i32
        %dma_start3A_188 = tpu.memref_slice %arg12[%dma_start3A_186, %dma_start3A_187] : memref<10008x128xf32, #tpu.memory_space<vmem_shared>> -> memref<10008x128xf32, #tpu.memory_space<vmem_shared>>
        tpu.enqueue_indirect_dma source(%arg11 : memref<120x128xf32, #tpu.memory_space<vmem>>) target(%dma_start3A_188 : memref<10008x128xf32, #tpu.memory_space<vmem_shared>>) offsets(%dma_start3A_185 : memref<120xi32, #tpu.memory_space<vmem>>) semaphore(%arg18 : memref<!tpu.dma_semaphore, #tpu.memory_space<semaphore_mem>>) {add = true}
        %dma_wait3A_189 = arith.constant 0 : i32
        %dma_wait3A_190 = arith.constant 0 : i32
        %dma_wait3A_191 = tpu.memref_slice %arg12[%dma_wait3A_189, %dma_wait3A_190] : memref<10008x128xf32, #tpu.memory_space<vmem_shared>> -> memref<120x128xf32, #tpu.memory_space<vmem_shared>>
        %dma_wait3A_192 = arith.constant 0 : i32
        %dma_wait3A_193 = arith.constant 0 : i32
        %dma_wait3A_194 = tpu.memref_slice %arg12[%dma_wait3A_192, %dma_wait3A_193] : memref<10008x128xf32, #tpu.memory_space<vmem_shared>> -> memref<120x128xf32, #tpu.memory_space<vmem_shared>>
        tpu.wait_dma2 semaphore(%arg18 : memref<!tpu.dma_semaphore, #tpu.memory_space<semaphore_mem>>) src(%arg11 : memref<120x128xf32, #tpu.memory_space<vmem>>) dst(%dma_wait3A_194 : memref<120x128xf32, #tpu.memory_space<vmem_shared>>)
        %eq3A_195 = arith.constant 0 : i32
        %eq3A_196 = arith.cmpi eq, %arg0, %eq3A_195 : i32
        %convert_element_type3A_197 = arith.extui %eq3A_196 : i1 to i32
        %cond3A_198 = arith.constant 0 : i32
        %cond3A_199 = arith.cmpi ne, %convert_element_type3A_197, %cond3A_198 : i32
        scf.if %cond3A_199 {
          %dma_start3A_302 = arith.constant 10 : i32
          %dma_start3A_303 = arith.constant 0 : i32
          %dma_start3A_304 = tpu.memref_slice %arg8[%dma_start3A_302, %dma_start3A_303] : memref<16x120xi32, #tpu.memory_space<vmem>> -> memref<1x120xi32, #tpu.memory_space<vmem>>
          %dma_start3A_305 = tpu.memref_squeeze %dma_start3A_304 : memref<1x120xi32, #tpu.memory_space<vmem>> -> memref<120xi32, #tpu.memory_space<vmem>>
          %dma_start3A_306 = arith.constant 0 : i32
          %dma_start3A_307 = arith.constant 0 : i32
          %dma_start3A_308 = tpu.memref_slice %arg2[%dma_start3A_306, %dma_start3A_307] : memref<10000x128xf32, #tpu.memory_space<hbm>> -> memref<10000x128xf32, #tpu.memory_space<hbm>>
          tpu.enqueue_indirect_dma source(%dma_start3A_308 : memref<10000x128xf32, #tpu.memory_space<hbm>>) target(%arg11 : memref<120x128xf32, #tpu.memory_space<vmem>>) offsets(%dma_start3A_305 : memref<120xi32, #tpu.memory_space<vmem>>) semaphore(%arg15 : memref<!tpu.dma_semaphore, #tpu.memory_space<semaphore_mem>>)
        } else {
        }
        %eq3A_200 = arith.constant 1 : i32
        %eq3A_201 = arith.cmpi eq, %arg0, %eq3A_200 : i32
        %convert_element_type3A_202 = arith.extui %eq3A_201 : i1 to i32
        %cond3A_203 = arith.constant 0 : i32
        %cond3A_204 = arith.cmpi ne, %convert_element_type3A_202, %cond3A_203 : i32
        scf.if %cond3A_204 {
          %dma_start3A_302 = arith.constant 10 : i32
          %dma_start3A_303 = arith.constant 0 : i32
          %dma_start3A_304 = tpu.memref_slice %arg8[%dma_start3A_302, %dma_start3A_303] : memref<16x120xi32, #tpu.memory_space<vmem>> -> memref<1x120xi32, #tpu.memory_space<vmem>>
          %dma_start3A_305 = tpu.memref_squeeze %dma_start3A_304 : memref<1x120xi32, #tpu.memory_space<vmem>> -> memref<120xi32, #tpu.memory_space<vmem>>
          %dma_start3A_306 = arith.constant 0 : i32
          %dma_start3A_307 = arith.constant 0 : i32
          %dma_start3A_308 = tpu.memref_slice %arg3[%dma_start3A_306, %dma_start3A_307] : memref<10000x128xf32, #tpu.memory_space<hbm>> -> memref<10000x128xf32, #tpu.memory_space<hbm>>
          tpu.enqueue_indirect_dma source(%dma_start3A_308 : memref<10000x128xf32, #tpu.memory_space<hbm>>) target(%arg11 : memref<120x128xf32, #tpu.memory_space<vmem>>) offsets(%dma_start3A_305 : memref<120xi32, #tpu.memory_space<vmem>>) semaphore(%arg15 : memref<!tpu.dma_semaphore, #tpu.memory_space<semaphore_mem>>)
        } else {
        }
        %dma_wait3A_205 = arith.constant 0 : i32
        %dma_wait3A_206 = arith.constant 0 : i32
        %dma_wait3A_207 = tpu.memref_slice %arg2[%dma_wait3A_205, %dma_wait3A_206] : memref<10000x128xf32, #tpu.memory_space<hbm>> -> memref<120x128xf32, #tpu.memory_space<hbm>>
        %dma_wait3A_208 = arith.constant 0 : i32
        %dma_wait3A_209 = arith.constant 0 : i32
        %dma_wait3A_210 = tpu.memref_slice %arg2[%dma_wait3A_208, %dma_wait3A_209] : memref<10000x128xf32, #tpu.memory_space<hbm>> -> memref<120x128xf32, #tpu.memory_space<hbm>>
        tpu.wait_dma2 semaphore(%arg13 : memref<!tpu.dma_semaphore, #tpu.memory_space<semaphore_mem>>) src(%dma_wait3A_210 : memref<120x128xf32, #tpu.memory_space<hbm>>) dst(%arg9 : memref<120x128xf32, #tpu.memory_space<vmem>>)
        %dma_start3A_211 = arith.constant 7 : i32
        %dma_start3A_212 = arith.constant 0 : i32
        %dma_start3A_213 = tpu.memref_slice %arg8[%dma_start3A_211, %dma_start3A_212] : memref<16x120xi32, #tpu.memory_space<vmem>> -> memref<1x120xi32, #tpu.memory_space<vmem>>
        %dma_start3A_214 = tpu.memref_squeeze %dma_start3A_213 : memref<1x120xi32, #tpu.memory_space<vmem>> -> memref<120xi32, #tpu.memory_space<vmem>>
        %dma_start3A_215 = arith.constant 0 : i32
        %dma_start3A_216 = arith.constant 0 : i32
        %dma_start3A_217 = tpu.memref_slice %arg12[%dma_start3A_215, %dma_start3A_216] : memref<10008x128xf32, #tpu.memory_space<vmem_shared>> -> memref<10008x128xf32, #tpu.memory_space<vmem_shared>>
        tpu.enqueue_indirect_dma source(%arg9 : memref<120x128xf32, #tpu.memory_space<vmem>>) target(%dma_start3A_217 : memref<10008x128xf32, #tpu.memory_space<vmem_shared>>) offsets(%dma_start3A_214 : memref<120xi32, #tpu.memory_space<vmem>>) semaphore(%arg16 : memref<!tpu.dma_semaphore, #tpu.memory_space<semaphore_mem>>) {add = true}
        %dma_wait3A_218 = arith.constant 0 : i32
        %dma_wait3A_219 = arith.constant 0 : i32
        %dma_wait3A_220 = tpu.memref_slice %arg12[%dma_wait3A_218, %dma_wait3A_219] : memref<10008x128xf32, #tpu.memory_space<vmem_shared>> -> memref<120x128xf32, #tpu.memory_space<vmem_shared>>
        %dma_wait3A_221 = arith.constant 0 : i32
        %dma_wait3A_222 = arith.constant 0 : i32
        %dma_wait3A_223 = tpu.memref_slice %arg12[%dma_wait3A_221, %dma_wait3A_222] : memref<10008x128xf32, #tpu.memory_space<vmem_shared>> -> memref<120x128xf32, #tpu.memory_space<vmem_shared>>
        tpu.wait_dma2 semaphore(%arg16 : memref<!tpu.dma_semaphore, #tpu.memory_space<semaphore_mem>>) src(%arg9 : memref<120x128xf32, #tpu.memory_space<vmem>>) dst(%dma_wait3A_223 : memref<120x128xf32, #tpu.memory_space<vmem_shared>>)
        %eq3A_224 = arith.constant 0 : i32
        %eq3A_225 = arith.cmpi eq, %arg0, %eq3A_224 : i32
        %convert_element_type3A_226 = arith.extui %eq3A_225 : i1 to i32
        %cond3A_227 = arith.constant 0 : i32
        %cond3A_228 = arith.cmpi ne, %convert_element_type3A_226, %cond3A_227 : i32
        scf.if %cond3A_228 {
          %dma_start3A_302 = arith.constant 12 : i32
          %dma_start3A_303 = arith.constant 0 : i32
          %dma_start3A_304 = tpu.memref_slice %arg8[%dma_start3A_302, %dma_start3A_303] : memref<16x120xi32, #tpu.memory_space<vmem>> -> memref<1x120xi32, #tpu.memory_space<vmem>>
          %dma_start3A_305 = tpu.memref_squeeze %dma_start3A_304 : memref<1x120xi32, #tpu.memory_space<vmem>> -> memref<120xi32, #tpu.memory_space<vmem>>
          %dma_start3A_306 = arith.constant 0 : i32
          %dma_start3A_307 = arith.constant 0 : i32
          %dma_start3A_308 = tpu.memref_slice %arg2[%dma_start3A_306, %dma_start3A_307] : memref<10000x128xf32, #tpu.memory_space<hbm>> -> memref<10000x128xf32, #tpu.memory_space<hbm>>
          tpu.enqueue_indirect_dma source(%dma_start3A_308 : memref<10000x128xf32, #tpu.memory_space<hbm>>) target(%arg9 : memref<120x128xf32, #tpu.memory_space<vmem>>) offsets(%dma_start3A_305 : memref<120xi32, #tpu.memory_space<vmem>>) semaphore(%arg13 : memref<!tpu.dma_semaphore, #tpu.memory_space<semaphore_mem>>)
        } else {
        }
        %eq3A_229 = arith.constant 1 : i32
        %eq3A_230 = arith.cmpi eq, %arg0, %eq3A_229 : i32
        %convert_element_type3A_231 = arith.extui %eq3A_230 : i1 to i32
        %cond3A_232 = arith.constant 0 : i32
        %cond3A_233 = arith.cmpi ne, %convert_element_type3A_231, %cond3A_232 : i32
        scf.if %cond3A_233 {
          %dma_start3A_302 = arith.constant 12 : i32
          %dma_start3A_303 = arith.constant 0 : i32
          %dma_start3A_304 = tpu.memref_slice %arg8[%dma_start3A_302, %dma_start3A_303] : memref<16x120xi32, #tpu.memory_space<vmem>> -> memref<1x120xi32, #tpu.memory_space<vmem>>
          %dma_start3A_305 = tpu.memref_squeeze %dma_start3A_304 : memref<1x120xi32, #tpu.memory_space<vmem>> -> memref<120xi32, #tpu.memory_space<vmem>>
          %dma_start3A_306 = arith.constant 0 : i32
          %dma_start3A_307 = arith.constant 0 : i32
          %dma_start3A_308 = tpu.memref_slice %arg3[%dma_start3A_306, %dma_start3A_307] : memref<10000x128xf32, #tpu.memory_space<hbm>> -> memref<10000x128xf32, #tpu.memory_space<hbm>>
          tpu.enqueue_indirect_dma source(%dma_start3A_308 : memref<10000x128xf32, #tpu.memory_space<hbm>>) target(%arg9 : memref<120x128xf32, #tpu.memory_space<vmem>>) offsets(%dma_start3A_305 : memref<120xi32, #tpu.memory_space<vmem>>) semaphore(%arg13 : memref<!tpu.dma_semaphore, #tpu.memory_space<semaphore_mem>>)
        } else {
        }
        %dma_wait3A_234 = arith.constant 0 : i32
        %dma_wait3A_235 = arith.constant 0 : i32
        %dma_wait3A_236 = tpu.memref_slice %arg2[%dma_wait3A_234, %dma_wait3A_235] : memref<10000x128xf32, #tpu.memory_space<hbm>> -> memref<120x128xf32, #tpu.memory_space<hbm>>
        %dma_wait3A_237 = arith.constant 0 : i32
        %dma_wait3A_238 = arith.constant 0 : i32
        %dma_wait3A_239 = tpu.memref_slice %arg2[%dma_wait3A_237, %dma_wait3A_238] : memref<10000x128xf32, #tpu.memory_space<hbm>> -> memref<120x128xf32, #tpu.memory_space<hbm>>
        tpu.wait_dma2 semaphore(%arg14 : memref<!tpu.dma_semaphore, #tpu.memory_space<semaphore_mem>>) src(%dma_wait3A_239 : memref<120x128xf32, #tpu.memory_space<hbm>>) dst(%arg10 : memref<120x128xf32, #tpu.memory_space<vmem>>)
        %dma_start3A_240 = arith.constant 9 : i32
        %dma_start3A_241 = arith.constant 0 : i32
        %dma_start3A_242 = tpu.memref_slice %arg8[%dma_start3A_240, %dma_start3A_241] : memref<16x120xi32, #tpu.memory_space<vmem>> -> memref<1x120xi32, #tpu.memory_space<vmem>>
        %dma_start3A_243 = tpu.memref_squeeze %dma_start3A_242 : memref<1x120xi32, #tpu.memory_space<vmem>> -> memref<120xi32, #tpu.memory_space<vmem>>
        %dma_start3A_244 = arith.constant 0 : i32
        %dma_start3A_245 = arith.constant 0 : i32
        %dma_start3A_246 = tpu.memref_slice %arg12[%dma_start3A_244, %dma_start3A_245] : memref<10008x128xf32, #tpu.memory_space<vmem_shared>> -> memref<10008x128xf32, #tpu.memory_space<vmem_shared>>
        tpu.enqueue_indirect_dma source(%arg10 : memref<120x128xf32, #tpu.memory_space<vmem>>) target(%dma_start3A_246 : memref<10008x128xf32, #tpu.memory_space<vmem_shared>>) offsets(%dma_start3A_243 : memref<120xi32, #tpu.memory_space<vmem>>) semaphore(%arg17 : memref<!tpu.dma_semaphore, #tpu.memory_space<semaphore_mem>>) {add = true}
        %dma_wait3A_247 = arith.constant 0 : i32
        %dma_wait3A_248 = arith.constant 0 : i32
        %dma_wait3A_249 = tpu.memref_slice %arg12[%dma_wait3A_247, %dma_wait3A_248] : memref<10008x128xf32, #tpu.memory_space<vmem_shared>> -> memref<120x128xf32, #tpu.memory_space<vmem_shared>>
        %dma_wait3A_250 = arith.constant 0 : i32
        %dma_wait3A_251 = arith.constant 0 : i32
        %dma_wait3A_252 = tpu.memref_slice %arg12[%dma_wait3A_250, %dma_wait3A_251] : memref<10008x128xf32, #tpu.memory_space<vmem_shared>> -> memref<120x128xf32, #tpu.memory_space<vmem_shared>>
        tpu.wait_dma2 semaphore(%arg17 : memref<!tpu.dma_semaphore, #tpu.memory_space<semaphore_mem>>) src(%arg10 : memref<120x128xf32, #tpu.memory_space<vmem>>) dst(%dma_wait3A_252 : memref<120x128xf32, #tpu.memory_space<vmem_shared>>)
        %eq3A_253 = arith.constant 0 : i32
        %eq3A_254 = arith.cmpi eq, %arg0, %eq3A_253 : i32
        %convert_element_type3A_255 = arith.extui %eq3A_254 : i1 to i32
        %cond3A_256 = arith.constant 0 : i32
        %cond3A_257 = arith.cmpi ne, %convert_element_type3A_255, %cond3A_256 : i32
        scf.if %cond3A_257 {
          %dma_start3A_302 = arith.constant 14 : i32
          %dma_start3A_303 = arith.constant 0 : i32
          %dma_start3A_304 = tpu.memref_slice %arg8[%dma_start3A_302, %dma_start3A_303] : memref<16x120xi32, #tpu.memory_space<vmem>> -> memref<1x120xi32, #tpu.memory_space<vmem>>
          %dma_start3A_305 = tpu.memref_squeeze %dma_start3A_304 : memref<1x120xi32, #tpu.memory_space<vmem>> -> memref<120xi32, #tpu.memory_space<vmem>>
          %dma_start3A_306 = arith.constant 0 : i32
          %dma_start3A_307 = arith.constant 0 : i32
          %dma_start3A_308 = tpu.memref_slice %arg2[%dma_start3A_306, %dma_start3A_307] : memref<10000x128xf32, #tpu.memory_space<hbm>> -> memref<10000x128xf32, #tpu.memory_space<hbm>>
          tpu.enqueue_indirect_dma source(%dma_start3A_308 : memref<10000x128xf32, #tpu.memory_space<hbm>>) target(%arg10 : memref<120x128xf32, #tpu.memory_space<vmem>>) offsets(%dma_start3A_305 : memref<120xi32, #tpu.memory_space<vmem>>) semaphore(%arg14 : memref<!tpu.dma_semaphore, #tpu.memory_space<semaphore_mem>>)
        } else {
        }
        %eq3A_258 = arith.constant 1 : i32
        %eq3A_259 = arith.cmpi eq, %arg0, %eq3A_258 : i32
        %convert_element_type3A_260 = arith.extui %eq3A_259 : i1 to i32
        %cond3A_261 = arith.constant 0 : i32
        %cond3A_262 = arith.cmpi ne, %convert_element_type3A_260, %cond3A_261 : i32
        scf.if %cond3A_262 {
          %dma_start3A_302 = arith.constant 14 : i32
          %dma_start3A_303 = arith.constant 0 : i32
          %dma_start3A_304 = tpu.memref_slice %arg8[%dma_start3A_302, %dma_start3A_303] : memref<16x120xi32, #tpu.memory_space<vmem>> -> memref<1x120xi32, #tpu.memory_space<vmem>>
          %dma_start3A_305 = tpu.memref_squeeze %dma_start3A_304 : memref<1x120xi32, #tpu.memory_space<vmem>> -> memref<120xi32, #tpu.memory_space<vmem>>
          %dma_start3A_306 = arith.constant 0 : i32
          %dma_start3A_307 = arith.constant 0 : i32
          %dma_start3A_308 = tpu.memref_slice %arg3[%dma_start3A_306, %dma_start3A_307] : memref<10000x128xf32, #tpu.memory_space<hbm>> -> memref<10000x128xf32, #tpu.memory_space<hbm>>
          tpu.enqueue_indirect_dma source(%dma_start3A_308 : memref<10000x128xf32, #tpu.memory_space<hbm>>) target(%arg10 : memref<120x128xf32, #tpu.memory_space<vmem>>) offsets(%dma_start3A_305 : memref<120xi32, #tpu.memory_space<vmem>>) semaphore(%arg14 : memref<!tpu.dma_semaphore, #tpu.memory_space<semaphore_mem>>)
        } else {
        }
        %dma_wait3A_263 = arith.constant 0 : i32
        %dma_wait3A_264 = arith.constant 0 : i32
        %dma_wait3A_265 = tpu.memref_slice %arg2[%dma_wait3A_263, %dma_wait3A_264] : memref<10000x128xf32, #tpu.memory_space<hbm>> -> memref<120x128xf32, #tpu.memory_space<hbm>>
        %dma_wait3A_266 = arith.constant 0 : i32
        %dma_wait3A_267 = arith.constant 0 : i32
        %dma_wait3A_268 = tpu.memref_slice %arg2[%dma_wait3A_266, %dma_wait3A_267] : memref<10000x128xf32, #tpu.memory_space<hbm>> -> memref<120x128xf32, #tpu.memory_space<hbm>>
        tpu.wait_dma2 semaphore(%arg15 : memref<!tpu.dma_semaphore, #tpu.memory_space<semaphore_mem>>) src(%dma_wait3A_268 : memref<120x128xf32, #tpu.memory_space<hbm>>) dst(%arg11 : memref<120x128xf32, #tpu.memory_space<vmem>>)
        %dma_start3A_269 = arith.constant 11 : i32
        %dma_start3A_270 = arith.constant 0 : i32
        %dma_start3A_271 = tpu.memref_slice %arg8[%dma_start3A_269, %dma_start3A_270] : memref<16x120xi32, #tpu.memory_space<vmem>> -> memref<1x120xi32, #tpu.memory_space<vmem>>
        %dma_start3A_272 = tpu.memref_squeeze %dma_start3A_271 : memref<1x120xi32, #tpu.memory_space<vmem>> -> memref<120xi32, #tpu.memory_space<vmem>>
        %dma_start3A_273 = arith.constant 0 : i32
        %dma_start3A_274 = arith.constant 0 : i32
        %dma_start3A_275 = tpu.memref_slice %arg12[%dma_start3A_273, %dma_start3A_274] : memref<10008x128xf32, #tpu.memory_space<vmem_shared>> -> memref<10008x128xf32, #tpu.memory_space<vmem_shared>>
        tpu.enqueue_indirect_dma source(%arg11 : memref<120x128xf32, #tpu.memory_space<vmem>>) target(%dma_start3A_275 : memref<10008x128xf32, #tpu.memory_space<vmem_shared>>) offsets(%dma_start3A_272 : memref<120xi32, #tpu.memory_space<vmem>>) semaphore(%arg18 : memref<!tpu.dma_semaphore, #tpu.memory_space<semaphore_mem>>) {add = true}
        %dma_wait3A_276 = arith.constant 0 : i32
        %dma_wait3A_277 = arith.constant 0 : i32
        %dma_wait3A_278 = tpu.memref_slice %arg2[%dma_wait3A_276, %dma_wait3A_277] : memref<10000x128xf32, #tpu.memory_space<hbm>> -> memref<120x128xf32, #tpu.memory_space<hbm>>
        %dma_wait3A_279 = arith.constant 0 : i32
        %dma_wait3A_280 = arith.constant 0 : i32
        %dma_wait3A_281 = tpu.memref_slice %arg2[%dma_wait3A_279, %dma_wait3A_280] : memref<10000x128xf32, #tpu.memory_space<hbm>> -> memref<120x128xf32, #tpu.memory_space<hbm>>
        tpu.wait_dma2 semaphore(%arg13 : memref<!tpu.dma_semaphore, #tpu.memory_space<semaphore_mem>>) src(%dma_wait3A_281 : memref<120x128xf32, #tpu.memory_space<hbm>>) dst(%arg9 : memref<120x128xf32, #tpu.memory_space<vmem>>)
        %dma_start3A_282 = arith.constant 13 : i32
        %dma_start3A_283 = arith.constant 0 : i32
        %dma_start3A_284 = tpu.memref_slice %arg8[%dma_start3A_282, %dma_start3A_283] : memref<16x120xi32, #tpu.memory_space<vmem>> -> memref<1x120xi32, #tpu.memory_space<vmem>>
        %dma_start3A_285 = tpu.memref_squeeze %dma_start3A_284 : memref<1x120xi32, #tpu.memory_space<vmem>> -> memref<120xi32, #tpu.memory_space<vmem>>
        %dma_start3A_286 = arith.constant 0 : i32
        %dma_start3A_287 = arith.constant 0 : i32
        %dma_start3A_288 = tpu.memref_slice %arg12[%dma_start3A_286, %dma_start3A_287] : memref<10008x128xf32, #tpu.memory_space<vmem_shared>> -> memref<10008x128xf32, #tpu.memory_space<vmem_shared>>
        tpu.enqueue_indirect_dma source(%arg9 : memref<120x128xf32, #tpu.memory_space<vmem>>) target(%dma_start3A_288 : memref<10008x128xf32, #tpu.memory_space<vmem_shared>>) offsets(%dma_start3A_285 : memref<120xi32, #tpu.memory_space<vmem>>) semaphore(%arg16 : memref<!tpu.dma_semaphore, #tpu.memory_space<semaphore_mem>>) {add = true}
        %dma_wait3A_289 = arith.constant 0 : i32
        %dma_wait3A_290 = arith.constant 0 : i32
        %dma_wait3A_291 = tpu.memref_slice %arg2[%dma_wait3A_289, %dma_wait3A_290] : memref<10000x128xf32, #tpu.memory_space<hbm>> -> memref<120x128xf32, #tpu.memory_space<hbm>>
        %dma_wait3A_292 = arith.constant 0 : i32
        %dma_wait3A_293 = arith.constant 0 : i32
        %dma_wait3A_294 = tpu.memref_slice %arg2[%dma_wait3A_292, %dma_wait3A_293] : memref<10000x128xf32, #tpu.memory_space<hbm>> -> memref<120x128xf32, #tpu.memory_space<hbm>>
        tpu.wait_dma2 semaphore(%arg14 : memref<!tpu.dma_semaphore, #tpu.memory_space<semaphore_mem>>) src(%dma_wait3A_294 : memref<120x128xf32, #tpu.memory_space<hbm>>) dst(%arg10 : memref<120x128xf32, #tpu.memory_space<vmem>>)
        %dma_start3A_295 = arith.constant 15 : i32
        %dma_start3A_296 = arith.constant 0 : i32
        %dma_start3A_297 = tpu.memref_slice %arg8[%dma_start3A_295, %dma_start3A_296] : memref<16x120xi32, #tpu.memory_space<vmem>> -> memref<1x120xi32, #tpu.memory_space<vmem>>
        %dma_start3A_298 = tpu.memref_squeeze %dma_start3A_297 : memref<1x120xi32, #tpu.memory_space<vmem>> -> memref<120xi32, #tpu.memory_space<vmem>>
        %dma_start3A_299 = arith.constant 0 : i32
        %dma_start3A_300 = arith.constant 0 : i32
        %dma_start3A_301 = tpu.memref_slice %arg12[%dma_start3A_299, %dma_start3A_300] : memref<10008x128xf32, #tpu.memory_space<vmem_shared>> -> memref<10008x128xf32, #tpu.memory_space<vmem_shared>>
        tpu.enqueue_indirect_dma source(%arg10 : memref<120x128xf32, #tpu.memory_space<vmem>>) target(%dma_start3A_301 : memref<10008x128xf32, #tpu.memory_space<vmem_shared>>) offsets(%dma_start3A_298 : memref<120xi32, #tpu.memory_space<vmem>>) semaphore(%arg17 : memref<!tpu.dma_semaphore, #tpu.memory_space<semaphore_mem>>) {add = true}
      } else {
      }
    }
    %scan3A_12 = arith.constant 11 : i32
    %dma_wait3A = arith.constant 0 : i32
    %dma_wait3A_13 = arith.constant 0 : i32
    %dma_wait3A_14 = tpu.memref_slice %arg12[%dma_wait3A, %dma_wait3A_13] : memref<10008x128xf32, #tpu.memory_space<vmem_shared>> -> memref<120x128xf32, #tpu.memory_space<vmem_shared>>
    %dma_wait3A_15 = arith.constant 0 : i32
    %dma_wait3A_16 = arith.constant 0 : i32
    %dma_wait3A_17 = tpu.memref_slice %arg12[%dma_wait3A_15, %dma_wait3A_16] : memref<10008x128xf32, #tpu.memory_space<vmem_shared>> -> memref<120x128xf32, #tpu.memory_space<vmem_shared>>
    tpu.wait_dma2 semaphore(%arg16 : memref<!tpu.dma_semaphore, #tpu.memory_space<semaphore_mem>>) src(%arg9 : memref<120x128xf32, #tpu.memory_space<vmem>>) dst(%dma_wait3A_17 : memref<120x128xf32, #tpu.memory_space<vmem_shared>>)
    %dma_wait3A_18 = arith.constant 0 : i32
    %dma_wait3A_19 = arith.constant 0 : i32
    %dma_wait3A_20 = tpu.memref_slice %arg12[%dma_wait3A_18, %dma_wait3A_19] : memref<10008x128xf32, #tpu.memory_space<vmem_shared>> -> memref<120x128xf32, #tpu.memory_space<vmem_shared>>
    %dma_wait3A_21 = arith.constant 0 : i32
    %dma_wait3A_22 = arith.constant 0 : i32
    %dma_wait3A_23 = tpu.memref_slice %arg12[%dma_wait3A_21, %dma_wait3A_22] : memref<10008x128xf32, #tpu.memory_space<vmem_shared>> -> memref<120x128xf32, #tpu.memory_space<vmem_shared>>
    tpu.wait_dma2 semaphore(%arg17 : memref<!tpu.dma_semaphore, #tpu.memory_space<semaphore_mem>>) src(%arg10 : memref<120x128xf32, #tpu.memory_space<vmem>>) dst(%dma_wait3A_23 : memref<120x128xf32, #tpu.memory_space<vmem_shared>>)
    %dma_wait3A_24 = arith.constant 0 : i32
    %dma_wait3A_25 = arith.constant 0 : i32
    %dma_wait3A_26 = tpu.memref_slice %arg12[%dma_wait3A_24, %dma_wait3A_25] : memref<10008x128xf32, #tpu.memory_space<vmem_shared>> -> memref<120x128xf32, #tpu.memory_space<vmem_shared>>
    %dma_wait3A_27 = arith.constant 0 : i32
    %dma_wait3A_28 = arith.constant 0 : i32
    %dma_wait3A_29 = tpu.memref_slice %arg12[%dma_wait3A_27, %dma_wait3A_28] : memref<10008x128xf32, #tpu.memory_space<vmem_shared>> -> memref<120x128xf32, #tpu.memory_space<vmem_shared>>
    tpu.wait_dma2 semaphore(%arg18 : memref<!tpu.dma_semaphore, #tpu.memory_space<semaphore_mem>>) src(%arg11 : memref<120x128xf32, #tpu.memory_space<vmem>>) dst(%dma_wait3A_29 : memref<120x128xf32, #tpu.memory_space<vmem_shared>>)
    %barrier3A_30 = arith.constant 0 : index
    tpu.barrier barrier_id(%barrier3A_30)
    %eq3A_31 = arith.constant 0 : i32
    %eq3A_32 = arith.cmpi eq, %arg0, %eq3A_31 : i32
    %convert_element_type3A_33 = arith.extui %eq3A_32 : i1 to i32
    %cond3A_34 = arith.constant 0 : i32
    %cond3A_35 = arith.cmpi ne, %convert_element_type3A_33, %cond3A_34 : i32
    scf.if %cond3A_35 {
      %lt3A = arith.constant 15 : i32
      %lt3A_41 = arith.cmpi slt, %arg1, %lt3A : i32
      %convert_element_type3A_42 = arith.extui %lt3A_41 : i1 to i32
      %cond3A_43 = arith.constant 0 : i32
      %cond3A_44 = arith.cmpi ne, %convert_element_type3A_42, %cond3A_43 : i32
      scf.if %cond3A_44 {
        %mul3A_50 = arith.constant 632 : i32
        %mul3A_51 = arith.muli %arg1, %mul3A_50 : i32
        %mul3A_52 = arith.constant 632 : i32
        %mul3A_53 = arith.muli %arg1, %mul3A_52 : i32
        "tpu.region"() ({
          %run_scoped3A = tpu.sem_alloc : memref<!tpu.dma_semaphore, #tpu.memory_space<semaphore_mem>>
          %dma_start3A = arith.constant 0 : i32
          %dma_start3A_54 = tpu.memref_slice %arg5[%mul3A_53, %dma_start3A] : memref<10000x128xf32, #tpu.memory_space<hbm>> -> memref<632x128xf32, #tpu.memory_space<hbm>>
          %dma_start3A_55 = arith.constant 0 : i32
          %dma_start3A_56 = tpu.memref_slice %arg12[%mul3A_51, %dma_start3A_55] : memref<10008x128xf32, #tpu.memory_space<vmem_shared>> -> memref<632x128xf32, #tpu.memory_space<vmem_shared>>
          tpu.enqueue_dma source(%dma_start3A_56 : memref<632x128xf32, #tpu.memory_space<vmem_shared>>) target(%dma_start3A_54 : memref<632x128xf32, #tpu.memory_space<hbm>>) target_semaphore(%run_scoped3A : memref<!tpu.dma_semaphore, #tpu.memory_space<semaphore_mem>>)
          %dma_wait3A_57 = arith.constant 0 : i32
          %dma_wait3A_58 = tpu.memref_slice %arg5[%mul3A_53, %dma_wait3A_57] : memref<10000x128xf32, #tpu.memory_space<hbm>> -> memref<632x128xf32, #tpu.memory_space<hbm>>
          %dma_wait3A_59 = arith.constant 0 : i32
          %dma_wait3A_60 = tpu.memref_slice %arg12[%mul3A_51, %dma_wait3A_59] : memref<10008x128xf32, #tpu.memory_space<vmem_shared>> -> memref<632x128xf32, #tpu.memory_space<vmem_shared>>
          tpu.wait_dma2 semaphore(%run_scoped3A : memref<!tpu.dma_semaphore, #tpu.memory_space<semaphore_mem>>) src(%dma_wait3A_60 : memref<632x128xf32, #tpu.memory_space<vmem_shared>>) dst(%dma_wait3A_58 : memref<632x128xf32, #tpu.memory_space<hbm>>)
          tpu.yield
        }) : () -> ()
      } else {
      }
      %eq3A_45 = arith.constant 15 : i32
      %eq3A_46 = arith.cmpi eq, %arg1, %eq3A_45 : i32
      %convert_element_type3A_47 = arith.extui %eq3A_46 : i1 to i32
      %cond3A_48 = arith.constant 0 : i32
      %cond3A_49 = arith.cmpi ne, %convert_element_type3A_47, %cond3A_48 : i32
      scf.if %cond3A_49 {
        "tpu.region"() ({
          %run_scoped3A = tpu.sem_alloc : memref<!tpu.dma_semaphore, #tpu.memory_space<semaphore_mem>>
          %dma_start3A = arith.constant 9480 : i32
          %dma_start3A_50 = arith.constant 0 : i32
          %dma_start3A_51 = tpu.memref_slice %arg5[%dma_start3A, %dma_start3A_50] : memref<10000x128xf32, #tpu.memory_space<hbm>> -> memref<520x128xf32, #tpu.memory_space<hbm>>
          %dma_start3A_52 = arith.constant 9480 : i32
          %dma_start3A_53 = arith.constant 0 : i32
          %dma_start3A_54 = tpu.memref_slice %arg12[%dma_start3A_52, %dma_start3A_53] : memref<10008x128xf32, #tpu.memory_space<vmem_shared>> -> memref<520x128xf32, #tpu.memory_space<vmem_shared>>
          tpu.enqueue_dma source(%dma_start3A_54 : memref<520x128xf32, #tpu.memory_space<vmem_shared>>) target(%dma_start3A_51 : memref<520x128xf32, #tpu.memory_space<hbm>>) target_semaphore(%run_scoped3A : memref<!tpu.dma_semaphore, #tpu.memory_space<semaphore_mem>>)
          %dma_wait3A_55 = arith.constant 9480 : i32
          %dma_wait3A_56 = arith.constant 0 : i32
          %dma_wait3A_57 = tpu.memref_slice %arg5[%dma_wait3A_55, %dma_wait3A_56] : memref<10000x128xf32, #tpu.memory_space<hbm>> -> memref<520x128xf32, #tpu.memory_space<hbm>>
          %dma_wait3A_58 = arith.constant 9480 : i32
          %dma_wait3A_59 = arith.constant 0 : i32
          %dma_wait3A_60 = tpu.memref_slice %arg12[%dma_wait3A_58, %dma_wait3A_59] : memref<10008x128xf32, #tpu.memory_space<vmem_shared>> -> memref<520x128xf32, #tpu.memory_space<vmem_shared>>
          tpu.wait_dma2 semaphore(%run_scoped3A : memref<!tpu.dma_semaphore, #tpu.memory_space<semaphore_mem>>) src(%dma_wait3A_60 : memref<520x128xf32, #tpu.memory_space<vmem_shared>>) dst(%dma_wait3A_57 : memref<520x128xf32, #tpu.memory_space<hbm>>)
          tpu.yield
        }) : () -> ()
      } else {
      }
    } else {
    }
    %eq3A_36 = arith.constant 1 : i32
    %eq3A_37 = arith.cmpi eq, %arg0, %eq3A_36 : i32
    %convert_element_type3A_38 = arith.extui %eq3A_37 : i1 to i32
    %cond3A_39 = arith.constant 0 : i32
    %cond3A_40 = arith.cmpi ne, %convert_element_type3A_38, %cond3A_39 : i32
    scf.if %cond3A_40 {
      %lt3A = arith.constant 15 : i32
      %lt3A_41 = arith.cmpi slt, %arg1, %lt3A : i32
      %convert_element_type3A_42 = arith.extui %lt3A_41 : i1 to i32
      %cond3A_43 = arith.constant 0 : i32
      %cond3A_44 = arith.cmpi ne, %convert_element_type3A_42, %cond3A_43 : i32
      scf.if %cond3A_44 {
        %mul3A_50 = arith.constant 632 : i32
        %mul3A_51 = arith.muli %arg1, %mul3A_50 : i32
        %mul3A_52 = arith.constant 632 : i32
        %mul3A_53 = arith.muli %arg1, %mul3A_52 : i32
        "tpu.region"() ({
          %run_scoped3A = tpu.sem_alloc : memref<!tpu.dma_semaphore, #tpu.memory_space<semaphore_mem>>
          %dma_start3A = arith.constant 0 : i32
          %dma_start3A_54 = tpu.memref_slice %arg6[%mul3A_53, %dma_start3A] : memref<10000x128xf32, #tpu.memory_space<hbm>> -> memref<632x128xf32, #tpu.memory_space<hbm>>
          %dma_start3A_55 = arith.constant 0 : i32
          %dma_start3A_56 = tpu.memref_slice %arg12[%mul3A_51, %dma_start3A_55] : memref<10008x128xf32, #tpu.memory_space<vmem_shared>> -> memref<632x128xf32, #tpu.memory_space<vmem_shared>>
          tpu.enqueue_dma source(%dma_start3A_56 : memref<632x128xf32, #tpu.memory_space<vmem_shared>>) target(%dma_start3A_54 : memref<632x128xf32, #tpu.memory_space<hbm>>) target_semaphore(%run_scoped3A : memref<!tpu.dma_semaphore, #tpu.memory_space<semaphore_mem>>)
          %dma_wait3A_57 = arith.constant 0 : i32
          %dma_wait3A_58 = tpu.memref_slice %arg6[%mul3A_53, %dma_wait3A_57] : memref<10000x128xf32, #tpu.memory_space<hbm>> -> memref<632x128xf32, #tpu.memory_space<hbm>>
          %dma_wait3A_59 = arith.constant 0 : i32
          %dma_wait3A_60 = tpu.memref_slice %arg12[%mul3A_51, %dma_wait3A_59] : memref<10008x128xf32, #tpu.memory_space<vmem_shared>> -> memref<632x128xf32, #tpu.memory_space<vmem_shared>>
          tpu.wait_dma2 semaphore(%run_scoped3A : memref<!tpu.dma_semaphore, #tpu.memory_space<semaphore_mem>>) src(%dma_wait3A_60 : memref<632x128xf32, #tpu.memory_space<vmem_shared>>) dst(%dma_wait3A_58 : memref<632x128xf32, #tpu.memory_space<hbm>>)
          tpu.yield
        }) : () -> ()
      } else {
      }
      %eq3A_45 = arith.constant 15 : i32
      %eq3A_46 = arith.cmpi eq, %arg1, %eq3A_45 : i32
      %convert_element_type3A_47 = arith.extui %eq3A_46 : i1 to i32
      %cond3A_48 = arith.constant 0 : i32
      %cond3A_49 = arith.cmpi ne, %convert_element_type3A_47, %cond3A_48 : i32
      scf.if %cond3A_49 {
        "tpu.region"() ({
          %run_scoped3A = tpu.sem_alloc : memref<!tpu.dma_semaphore, #tpu.memory_space<semaphore_mem>>
          %dma_start3A = arith.constant 9480 : i32
          %dma_start3A_50 = arith.constant 0 : i32
          %dma_start3A_51 = tpu.memref_slice %arg6[%dma_start3A, %dma_start3A_50] : memref<10000x128xf32, #tpu.memory_space<hbm>> -> memref<520x128xf32, #tpu.memory_space<hbm>>
          %dma_start3A_52 = arith.constant 9480 : i32
          %dma_start3A_53 = arith.constant 0 : i32
          %dma_start3A_54 = tpu.memref_slice %arg12[%dma_start3A_52, %dma_start3A_53] : memref<10008x128xf32, #tpu.memory_space<vmem_shared>> -> memref<520x128xf32, #tpu.memory_space<vmem_shared>>
          tpu.enqueue_dma source(%dma_start3A_54 : memref<520x128xf32, #tpu.memory_space<vmem_shared>>) target(%dma_start3A_51 : memref<520x128xf32, #tpu.memory_space<hbm>>) target_semaphore(%run_scoped3A : memref<!tpu.dma_semaphore, #tpu.memory_space<semaphore_mem>>)
          %dma_wait3A_55 = arith.constant 9480 : i32
          %dma_wait3A_56 = arith.constant 0 : i32
          %dma_wait3A_57 = tpu.memref_slice %arg6[%dma_wait3A_55, %dma_wait3A_56] : memref<10000x128xf32, #tpu.memory_space<hbm>> -> memref<520x128xf32, #tpu.memory_space<hbm>>
          %dma_wait3A_58 = arith.constant 9480 : i32
          %dma_wait3A_59 = arith.constant 0 : i32
          %dma_wait3A_60 = tpu.memref_slice %arg12[%dma_wait3A_58, %dma_wait3A_59] : memref<10008x128xf32, #tpu.memory_space<vmem_shared>> -> memref<520x128xf32, #tpu.memory_space<vmem_shared>>
          tpu.wait_dma2 semaphore(%run_scoped3A : memref<!tpu.dma_semaphore, #tpu.memory_space<semaphore_mem>>) src(%dma_wait3A_60 : memref<520x128xf32, #tpu.memory_space<vmem_shared>>) dst(%dma_wait3A_57 : memref<520x128xf32, #tpu.memory_space<hbm>>)
          tpu.yield
        }) : () -> ()
      } else {
      }
    } else {
    }
    return
  }
}

</mosaic_0001>

<sc_bundles>
// kernel: _sc_agg.3.cloned.1.call-start
scs
__scs_entry_jumppad:
0x0: {  	(pc) =	sbr.rel $0x88, $3  }
0x1: {  	(tag) =	ssettag $0x0;
	lr =	simm.s32 $0x1  }
0x2: {  	[smem:$0x3F9E] =	sst lr;
	_ =	strace $0xD0000000  }
0x3: {  	_ = 	snop  }
0x4: {  	_ = 	snop  }
0x5: {  	_ = 	snop  }
0x6: {  	_ = 	snop  }
0x7: {  	_ = 	snop  }
__scs_overlays_trampoline_lowered:
0x8: {  	[smem:$0x3FAD] =	sst s0  }
0x9: {  	[smem:$0x3FAE] =	sst s1  }
0xa: {  	[smem:$0x3FAF] =	sst s2  }
0xb: {  	[smem:$0x3FB0] =	sst s3  }
0xc: {  	[smem:$0x3FB1] =	sst s4  }
0xd: {  	[smem:$0x3FB2] =	sst s5  }
0xe: {  	[smem:$0x3FB3] =	sst s6  }
0xf: {  	[smem:$0x3FB4] =	sst s7  }
0x10: {  	[smem:$0x3FB5] =	sst s8  }
0x11: {  	[smem:$0x3FB6] =	sst s9;
	s0 =	simm.s32 @!p0 $0x0  }
0x12: {  	s1 =	sld [smem:$0x3F9C];
	s0 =	simm.s32 @p0 $0x1  }
0x13: {  	[smem:$0x3FB7] =	sst s0;
	s0 =	simm.s32 @!p1 $0x0  }
0x14: {  	s2 =	sld [smem:$0x3F9B];
	s0 =	simm.s32 @p1 $0x1  }
0x15: {  	[smem:$0x3FB8] =	sst s0;
	s0 =	simm.s32 @!p2 $0x0  }
0x16: {  	s3 =	sld [smem:$0x3FDB];
	s0 =	simm.s32 @p2 $0x1  }
0x17: {  	s4 =	simm.s32 $0x1BF5;
	[smem:$0x3FBA] =	sst s0  }
0x18: {  	s0 =	sld [smem:$0x3F9D];
	_ =	swait.ge [sflag:s4], $0x0  }
0x19: {  	s7 =	sld [smem:$0x3F9E]  }
0x1a: {  	s8 =	sadd.s32 $0xFFFFE003, lr  }
0x1b: {  	s9 =	sadd.s32 $0xFFFFFEF7, lr;
	s5 =	simm.s32 $0xFFFFFFFF;
	p2 =	slt.u32 s8, $0xFFFFF086  }
0x1c: {  	p1 =	slt.u32 s9, $0xF7A;
	s5 =	simm.s32 @!p2 $0x0  }
0x1d: {  	s5 =	simm.s32 @p1 $0x1;
	p0 =	seq.s32 s7, s2  }
0x1e: {  	s7 =	smul.u32 @!p0 $0xF7A, s2;
	p2 =	seq.s32 @!p0 s5, $0x0  }
0x1f: {  	s9 =	smul.u32 $0xF7A, s1;
	s8 =	simm.s32 @!p0 $0x1BF5;
	p2 =	por !p2, p0  }
0x20: {  	[sflag:s8] =	ssyncset.s32 @!p0 $0xFFFFF086;
	s6 =	sadd.s32 @!p0 s3, s7;
	s7 =	simm.s32 @!p0 $0x108  }
0x21: {  	s3 =	sadd.s32 s3, s9;
	s6 =	sadd.s32 @!p0 $0x88, s6;
	s7 =	simm.s32 @p2 $0x1082  }
0x22: {  	[simem:s7], [sflag:s8] =	dma.local @!p0 [hbm:s6], $0xF7A  }
0x23: {  	s9 =	sor.u32 $0xD0000000, s2;
	s6 =	simm.s32 $0x108;
	_ =	swait.ge @!p0 [sflag:s8], $0x0  }
0x24: {  	s3 =	sadd.s32 $0x88, s3;
	s6 =	simm.s32 @!p1 $0x1082;
	[sflag:s4] =	ssyncset.s32 $0xFFFFF086  }
0x25: {  	[simem:s6], [sflag:s4] =	dma.local [hbm:s3], $0xF7A  }
0x26: {  	[smem:$0x3F9E] =	sst s1;
	(tag) =	ssettag s2;
	_ =	strace s9  }
0x27: {  	s1 =	sld [smem:$0x3FAE]  }
0x28: {  	s2 =	sld [smem:$0x3FAF]  }
0x29: {  	s4 =	sld [smem:$0x3FB1]  }
0x2a: {  	p0 =	seq.s32 s5, $0x0;
	s5 =	sld [smem:$0x3FB2]  }
0x2b: {  	s6 =	sld [smem:$0x3FB3]  }
0x2c: {  	s7 =	sld [smem:$0x3FB4]  }
0x2d: {  	s3 =	simm.s32 $0x108;
	s8 =	sld [smem:$0x3FB5]  }
0x2e: {  	s3 =	simm.s32 @!p0 $0x1082;
	s9 =	sld [smem:$0x3FB6]  }
0x2f: {  	lr =	sadd.s32 s0, s3;
	s0 =	sld [smem:$0x3FAD]  }
0x30: {  	s3 =	sld [smem:$0x3FB0]  }
0x31: {  	[smem:$0x3FB9] =	sst s10  }
0x32: {  	s10 =	sld [smem:$0x3FB7];
	_ =	sdelay $0x3  }
0x33: {  	p0 =	seq.s32 s10, $0x1;
	s10 =	sld [smem:$0x3FB9];
	_ =	sdelay $0x3  }
0x34: {  	[smem:$0x3FB9] =	sst s10  }
0x35: {  	s10 =	sld [smem:$0x3FB8];
	_ =	sdelay $0x3  }
0x36: {  	p1 =	seq.s32 s10, $0x1;
	s10 =	sld [smem:$0x3FB9];
	_ =	sdelay $0x3  }
0x37: {  	[smem:$0x3FB9] =	sst s10  }
0x38: {  	s10 =	sld [smem:$0x3FBA]  }
0x39: {  	_ = 	snop;
	(pc) =	sbr.ind lr, $3  }
0x3a: {  	_ = 	snop  }
0x3b: {  	_ = 	snop  }
0x3c: {  	p2 =	seq.s32 s10, $0x1;
	s10 =	sld [smem:$0x3FB9]  }
0x3d: {  	_ =	shalt  }
0x3e: {  	_ =	shalt  }
0x3f: {  	_ =	shalt  }
0x40: {  	_ =	shalt  }
0x41: {  	_ =	shalt  }
0x42: {  	_ =	shalt  }
0x43: {  	_ =	shalt  }
0x44: {  	_ =	shalt  }
0x45: {  	_ =	shalt  }
0x46: {  	_ =	shalt  }
0x47: {  	_ =	shalt  }
0x48: {  	_ =	shalt  }
0x49: {  	_ =	shalt  }
0x4a: {  	_ =	shalt  }
0x4b: {  	_ =	shalt  }
0x4c: {  	_ =	shalt  }
0x4d: {  	_ =	shalt  }
0x4e: {  	_ =	shalt  }
0x4f: {  	_ =	shalt  }
0x50: {  	_ =	shalt  }
0x51: {  	_ =	shalt  }
0x52: {  	_ =	shalt  }
0x53: {  	_ =	shalt  }
0x54: {  	_ =	shalt  }
0x55: {  	_ =	shalt  }
0x56: {  	_ =	shalt  }
0x57: {  	_ =	shalt  }
0x58: {  	_ =	shalt  }
0x59: {  	_ =	shalt  }
0x5a: {  	_ =	shalt  }
0x5b: {  	_ =	shalt  }
0x5c: {  	_ =	shalt  }
0x5d: {  	_ =	shalt  }
0x5e: {  	_ =	shalt  }
0x5f: {  	_ =	shalt  }
0x60: {  	_ =	shalt  }
0x61: {  	_ =	shalt  }
0x62: {  	_ =	shalt  }
0x63: {  	_ =	shalt  }
0x64: {  	_ =	shalt  }
0x65: {  	_ =	shalt  }
0x66: {  	_ =	shalt  }
0x67: {  	_ =	shalt  }
0x68: {  	_ =	shalt  }
0x69: {  	_ =	shalt  }
0x6a: {  	_ =	shalt  }
0x6b: {  	_ =	shalt  }
0x6c: {  	_ =	shalt  }
0x6d: {  	_ =	shalt  }
0x6e: {  	_ =	shalt  }
0x6f: {  	_ =	shalt  }
0x70: {  	_ =	shalt  }
0x71: {  	_ =	shalt  }
0x72: {  	_ =	shalt  }
0x73: {  	_ =	shalt  }
0x74: {  	_ =	shalt  }
0x75: {  	_ =	shalt  }
0x76: {  	_ =	shalt  }
0x77: {  	_ =	shalt  }
0x78: {  	_ =	shalt  }
0x79: {  	_ =	shalt  }
0x7a: {  	_ =	shalt  }
0x7b: {  	_ =	shalt  }
0x7c: {  	_ =	shalt  }
0x7d: {  	_ =	shalt  }
0x7e: {  	_ =	shalt  }
0x7f: {  	_ =	shalt  }
0x80: {  	_ =	shalt  }
0x81: {  	_ =	shalt  }
0x82: {  	_ =	shalt  }
0x83: {  	_ =	shalt  }
0x84: {  	_ =	shalt  }
0x85: {  	_ =	shalt  }
0x86: {  	_ =	shalt  }
0x87: {  	_ =	shalt  }
.Lfunc_end0:
.L_simem_size_0:
called_computation_lowered:
.L_overlay_start_0:
0x88: {  	s2 =	sld [smem:$0x3FD9]  }
0x89: {  	s3 =	sld [smem:$0x3FFE];
	_ =	sdelay $0x1  }
0x8a: {  	s1 =	srdreg.scid  }
0x8b: {  	s0 =	sand.u32 $0x1, s1  }
0x8c: {  	s15 =	sshll.u32 s0, $0xA;
	s2 =	sadd.s32 s3, s2  }
0x8d: {  	s2 =	sadd.s32 s2, s15  }
0x8e: {  	[smem:$0x3FC5] =	sst s2  }
0x8f: {  	_ = 	snop  }
0x90: {  	s2 =	sld [smem:$0x3FD0]  }
0x91: {  	s16 =	sld [smem:$0x3FC9]  }
0x92: {  	s4 =	sld [smem:$0x3FC8]  }
0x93: {  	s6 =	simm.s32 $0xA;
	s7 =	simm.s32 $0x10;
	s5 =	sld [smem:$0x3FC7]  }
0x94: {  	[smem:s7], [sflag:s6] =	dma.local [hbm:s2], $0x1  }
0x95: {  	_ =	swait.eq [sflag:s6], $0x1  }
0x96: {  	[sflag:s6] =	ssyncset.done $0x0  }
0x97: {  	s17 =	sld [smem:$0x10];
	[sflag:s6] =	ssyncadd.s32 $0xFFFFFFFF  }
0x98: {  	s18 =	sld [smem:$0x11];
	(tm) =	ssettm $0x1  }
0x99: {  	s19 =	sld [smem:$0x3FFB];
	_ =	sdelay $0x3  }
0x9a: {  	_ =	strace s19  }
0x9b: {  	s7 =	sld [smem:$0x3FFC];
	_ =	sdelay $0x3  }
0x9c: {  	_ =	strace s7  }
0x9d: {  	s7 =	sld [smem:$0x3FFD];
	_ =	sdelay $0x3  }
0x9e: {  	_ =	strace s7  }
0x9f: {  	_ =	strace $0x8FFFFFFF  }
0xa0: {  	s20 =	sld [smem:$0x3FDB];
	_ =	sdelay $0x1  }
0xa1: {  	s8 =	simm.s32 $_scs_section_size  }
0xa2: {  	s9 =	simm.s32 $_size__tile_overlayer_lowered;
	s10 =	simm.s32 $_tile_overlayer_lowered  }
0xa3: {  	s23 =	simm.s32 $0x1BFF;
	s22 =	sshll.u32 s10, $0x1;
	s7 =	sadd.s32 s8, s20  }
0xa4: {  	s11 =	simm.s32 $0x0;
	s21 =	sshll.u32 s9, $0x1;
	s9 =	sadd.s32 s22, s7  }
0xa5: {  	[timem:s11], [sflag:s23] =	dma.local [hbm:s9], s21  }
0xa6: {  	_ =	swait.ge [sflag:s23], s21  }
0xa7: {  	s8 =	ssub.s32 $0x0, s21;
	[sflag:s23] =	ssyncset.done $0x0  }
0xa8: {  	[sflag:s23] =	ssyncadd.s32 s8;
	_ =	sdelay $0x1  }
0xa9: {  	s24 =	simm.s32 $0x1B8B  }
0xaa: {  	_ =	swait.ge [sflag:s24], $0x1  }
0xab: {  	[sflag:s24] =	ssyncset.done $0x0  }
0xac: {  	s25 =	simm.s32 $0x1B8E;
	[sflag:s24] =	ssyncadd.s32 $0xFFFFFFFF  }
0xad: {  	s26 =	simm.s32 $execute0_lowered;
	[smem:$0x3FD2] =	sst s25  }
0xae: {  	s8 =	sshll.u32 s26, $0x1;
	_ =	strace $0x80000046;
	[dreg:$0x1] =	wrdreg $0xFFFFFFFF  }
0xaf: {  	s28 =	simm.s32 $_size_execute0_lowered;
	s7 =	sadd.s32 s7, s8;
	[dreg:$0x0] =	wrdreg $0x0  }
0xb0: {  	s8 =	sshll.u32 s28, $0x1;
	[dreg:$0x2] =	wrdreg s7  }
0xb1: {  	[dreg:$0x3] =	wrdreg s8  }
0xb2: {  	[dreg:$0x4] =	wrdreg $0xC0  }
0xb3: {  	_ =	task [dreg:s11], $0x5FFFF  }
0xb4: {  	[dreg:$0x1] =	wrdreg $0xFFFFFFFF  }
0xb5: {  	[dreg:$0x0] =	wrdreg $0x60  }
0xb6: {  	[dreg:$0x2] =	wrdreg s16  }
0xb7: {  	[dreg:$0x3] =	wrdreg s4  }
0xb8: {  	[dreg:$0x4] =	wrdreg s5  }
0xb9: {  	[dreg:$0x5] =	wrdreg s17  }
0xba: {  	[dreg:$0x6] =	wrdreg s18  }
0xbb: {  	[dreg:$0x7] =	wrdreg $0xC4000  }
0xbc: {  	[dreg:$0x8] =	wrdreg $0x9  }
0xbd: {  	_ =	task.clear_ibuf [dreg:s11], $0x9FFFF;
	_ =	strace $0x90000046  }
0xbe: {  	s29 =	simm.s32 $0x9;
	_ =	strace $0x80000048  }
0xbf: {  	_ =	swait.ge [sflag:s29], $0x1  }
0xc0: {  	[sflag:s29] =	ssyncadd.s32 $0xFFFFFFFF  }
0xc1: {  	_ =	strace $0x90000048  }
0xc2: {  	_ =	sfence  }
0xc3: {  	s30 =	sld [smem:$0x0];
	_ =	sdelay $0x2  }
0xc4: {  	s31 =	sshll.u32 s1, $0xD;
	s1 =	sshrl.u32 s1, $0x2  }
0xc5: {  	s3 =	sand.u32 $0x4000, s31;
	s1 =	sadd.s32 s1, s30  }
0xc6: {  	s0 =	sor.u32 s3, s0;
	s1 =	sshll.u32 s1, $0x11  }
0xc7: {  	s0 =	sor.u32 s1, s0  }
0xc8: {  	s0 =	sadd.s32 $0x8F2B, s0  }
0xc9: {  	[sflag:s0] =	ssyncadd.remote.s32 $0x1  }
0xca: {  	_ =	sfence.sel $0xFFFF  }
0xcb: {  	[dreg:$0x0] =	wrdreg $0xFFFFFFFF;
	(pc) =	sbr.abs _section_cstart, $3  }
0xcc: {  	[dreg:$0x1] =	wrdreg $0xFFFFFFFF  }
0xcd: {  	_ =	task.clear_ibuf [dreg:s11], $0x2FFFF;
	_ =	strace $0x9FFFFFFF  }
0xce: {  	(tm) =	ssettm $0x7FFFFFFF  }
0xcf: {  	_ =	shalt  }
tec
execute0_lowered:
.L_overlay_start_1:
0x0: {  	(tag) =	ssettag $0x1  }
0x1: {  	s0 =	rddreg [dreg:$0x0]  }
0x2: {  	s1 =	rddreg [dreg:$0x1]  }
0x3: {  	s2 =	rddreg [dreg:$0x2]  }
0x4: {  	s4 =	rddreg [dreg:$0x3]  }
0x5: {  	s5 =	rddreg [dreg:$0x4]  }
0x6: {  	s3 =	rddreg [dreg:$0x5]  }
0x7: {  	s6 =	srdreg.scid;
	s8 =	simm.s32 $0x0;
	s11 =	stileid.u32  }
0x8: {  	s28 =	simm.s32 $0x7;
	s29 =	simm.s32 $0x78;
	s30 =	simm.s32 $0x800  }
0x9: {  	s31 =	simm.s32 $0x1000;
	s15 =	simm.s32 $0x900;
	s14 =	simm.s32 $0x3  }
0xa: {  	s16 =	simm.s32 $0xD00;
	s6 =	sand.u32 $0x1, s6;
	s9 =	smul.u32 $0x4F000, s11  }
0xb: {  	[smem:$0x7FF] =	sst s8;
	s10 =	smul.u32 $0x2780, s11;
	s13 =	sadd.s32 $0x25080, s1  }
0xc: {  	s21 =	sadd.s32 $0x25080, s0;
	s25 =	smul.u32 $0x5800, s11;
	s7 =	ssub.s32 $0x2, s6  }
0xd: {  	_ =	strace $0x80000047;
	s18 =	sshll.u32 s6, $0x4;
	[dreg:$0x9] =	wrdreg s13  }
0xe: {  	p0 =	seq.s32 s6, $0x0;
	[dreg:$0xb] =	wrdreg s21;
	s23 =	smul.u32 $0x58000, s6  }
0xf: {  	p3 =	sne.s32 s6, $0x0;
	s21 =	simm.s32 $0xE80;
	s17 =	sshrl.u32 s7, $0x1  }
0x10: {  	s8 =	sor.u32 s11, s18;
	s9 =	sshrl.u32 s9, $0x2;
	s19 =	sadd.s32 s1, s10  }
0x11: {  	s20 =	sadd.s32 s0, s10;
	s22 =	sadd.s32 s5, s10;
	s5 =	sadd.s32 $0x25080, s5  }
0x12: {  	s24 =	sadd.s32 s4, s10;
	s4 =	sadd.s32 $0x25080, s4;
	[dreg:$0x8] =	wrdreg s19  }
0x13: {  	s1 =	smov.u32 @p0 s0;
	p1 =	seq.s32 @p3 s11, $0xF;
	[dreg:$0xa] =	wrdreg s20  }
0x14: {  	p4 =	seq.s32 @!p3 s11, $0xF;
	s18 =	simm.s32 $0xC80;
	[dreg:$0xd] =	wrdreg s22  }
0x15: {  	s7 =	ssub.s32 s7, s17;
	s12 =	sadd.s32 s9, s3;
	[dreg:$0xe] =	wrdreg s5  }
0x16: {  	s8 =	smul.u32 $0x5800, s8;
	s9 =	sadd.s32 $0x128400, s3;
	[dreg:$0xf] =	wrdreg s24  }
0x17: {  	[dreg:$0x10] =	wrdreg s4;
	s4 =	sadd.s32 s25, s23;
	p0 =	por !p1, !p3  }
0x18: {  	p1 =	por p1, !p3;
	p2 =	por !p4, p3;
	p3 =	por p4, p3  }
0x19: {  	s24 =	simm.s32 $0x4;
	s25 =	simm.s32 $0x5;
	s17 =	simm.s32 $0xB80  }
0x1a: {  	s23 =	simm.s32 $0xE00;
	s19 =	simm.s32 $0xF00;
	s20 =	simm.s32 $0xD80  }
0x1b: {  	s22 =	simm.s32 $0xF80;
	s5 =	simm.s32 $0x0;
	s26 =	smax.u32 s7, $0x1  }
0x1c: {  	s0 =	sadd.s32 $0x800, s4;
	s7 =	sshrl.u32 @!p0 s9, $0x3;
	[dreg:$0x7] =	wrdreg s12  }
0x1d: {  	s4 =	sshrl.u32 @!p1 s12, $0x3;
	s6 =	sshrl.u32 @!p2 s9, $0x3;
	[dreg:$0x15] =	wrdreg s5  }
0x1e: {  	s9 =	simm.s32 $0x1;
	s12 =	simm.s32 $0x2;
	[dreg:$0x11] =	wrdreg s26  }
.Ltmp0:
0x1f: {  	s8 =	sshrl.u32 s8, $0x3;
	[dreg:$0x12] =	wrdreg s0;
	(pc) =	sbr.rel .LBB2_1-.Ltmp0, $4  }
0x20: {  	s0 =	sshll.u32 @!p1 s11, $0x6;
	s26 =	simm.s32 $0x6;
	[dreg:$0x13] =	wrdreg s7  }
0x21: {  	s8 =	sadd.s32 s2, s8;
	s10 =	sor.u32 @!p1 $0x1C08, s0;
	s0 =	sshll.u32 @!p3 s11, $0x6  }
0x22: {  	s11 =	smov.u32 s4;
	s4 =	simm.s32 $0x4C00;
	[dreg:$0xc] =	wrdreg s8  }
0x23: {  	s13 =	sor.u32 @!p3 $0x1C08, s0;
	s8 =	simm.s32 $0x8800;
	[dreg:$0x14] =	wrdreg s10  }
.LBB2_6:
0x24: {  	_ =	swait.ge [sflag:s24], $0x3C00  }
0x25: {  	[sflag:s24] =	ssyncset.done $0x0  }
0x26: {  	[sflag:s24] =	ssyncadd.s32 $0xFFFFC400  }
0x27: {  	_ =	swait.ge [sflag:s25], $0x3C00  }
0x28: {  	[sflag:s25] =	ssyncset.done $0x0  }
0x29: {  	[sflag:s25] =	ssyncadd.s32 $0xFFFFC400  }
0x2a: {  	_ =	swait.ge [sflag:s26], $0x3C00  }
0x2b: {  	[sflag:s26] =	ssyncset.done $0x0  }
0x2c: {  	[sflag:s26] =	ssyncadd.s32 $0xFFFFC400  }
0x2d: {  	[bflag:$0x0] =	sbarrier.arrive $0xFFFF  }
0x2e: {  	s5 =	rddreg [dreg:$0xe]  }
0x2f: {  	s0 =	simm.s32 @!p0 $0x1FC8;
	s7 =	rddreg [dreg:$0x13]  }
0x30: {  	[hbm:s5], [sflag:s0] =	dma.local @!p0 [spmem:s7], $0x2080  }
0x31: {  	s0 =	simm.s32 @!p0 $0x8  }
0x32: {  	_ =	swait.ge @!p0 [sflag:s0], $0x2080  }
0x33: {  	[sflag:s0] =	ssyncset.done @!p0 $0x0;
	s10 =	rddreg [dreg:$0x14]  }
0x34: {  	[sflag:s0] =	ssyncadd.s32 @!p0 $0xFFFFDF80;
	s0 =	rddreg [dreg:$0xd]  }
0x35: {  	[hbm:s0], [sflag:s10] =	dma.local @!p1 [spmem:s11], $0x2780  }
0x36: {  	s0 =	simm.s32 @!p1 $0x8  }
0x37: {  	_ =	swait.ge @!p1 [sflag:s0], $0x2780  }
0x38: {  	[sflag:s0] =	ssyncset.done @!p1 $0x0  }
0x39: {  	s5 =	rddreg [dreg:$0x10];
	[sflag:s0] =	ssyncadd.s32 @!p1 $0xFFFFD880;
	s0 =	simm.s32 @!p2 $0x1FC8  }
0x3a: {  	[hbm:s5], [sflag:s0] =	dma.local @!p2 [spmem:s6], $0x2080  }
0x3b: {  	s0 =	simm.s32 @!p2 $0x8  }
0x3c: {  	_ =	swait.ge @!p2 [sflag:s0], $0x2080  }
0x3d: {  	[sflag:s0] =	ssyncset.done @!p2 $0x0;
	s5 =	rddreg [dreg:$0x16]  }
0x3e: {  	[sflag:s0] =	ssyncadd.s32 @!p2 $0xFFFFDF80;
	s0 =	rddreg [dreg:$0xf]  }
0x3f: {  	[hbm:s0], [sflag:s13] =	dma.local @!p3 [spmem:s5], $0x2780  }
0x40: {  	s0 =	simm.s32 @!p3 $0x8  }
0x41: {  	_ =	swait.ge @!p3 [sflag:s0], $0x2780  }
0x42: {  	s16 =	rddreg [dreg:$0x15]  }
0x43: {  	s5 =	rddreg [dreg:$0x11];
	s16 =	sadd.s32 $0x1, s16  }
0x44: {  	p4 =	sne.s32 s16, s5  }
.Ltmp1:
0x45: {  	_ = 	snop;
	(pc) =	sbr.rel @!p4 .LBB2_7-.Ltmp1, $3  }
0x46: {  	_ =	sdelay $0x1  }
0x47: {  	[sflag:s0] =	ssyncset.done @!p3 $0x0  }
0x48: {  	[sflag:s0] =	ssyncadd.s32 @!p3 $0xFFFFD880;
	[dreg:$0x15] =	wrdreg s16;
	s16 =	simm.s32 $0xD00  }
.LBB2_1:
0x49: {  	s0 =	simm.s32 @!p0 $0x1FC8;
	s5 =	rddreg [dreg:$0x9]  }
0x4a: {  	[spmem:s7], [sflag:s0] =	dma.local @!p0 [hbm:s5], $0x2080  }
0x4b: {  	s0 =	simm.s32 @!p0 $0x8  }
0x4c: {  	_ =	swait.ge @!p0 [sflag:s0], $0x2080  }
0x4d: {  	[sflag:s0] =	ssyncset.done @!p0 $0x0  }
0x4e: {  	[sflag:s0] =	ssyncadd.s32 @!p0 $0xFFFFDF80;
	s0 =	rddreg [dreg:$0x8]  }
0x4f: {  	[spmem:s11], [sflag:s10] =	dma.local @!p1 [hbm:s0], $0x2780  }
0x50: {  	s0 =	simm.s32 @!p1 $0x8  }
0x51: {  	_ =	swait.ge @!p1 [sflag:s0], $0x2780  }
0x52: {  	[sflag:s0] =	ssyncset.done @!p1 $0x0  }
0x53: {  	s5 =	rddreg [dreg:$0xb];
	[sflag:s0] =	ssyncadd.s32 @!p1 $0xFFFFD880;
	s0 =	simm.s32 @!p2 $0x1FC8  }
0x54: {  	[spmem:s6], [sflag:s0] =	dma.local @!p2 [hbm:s5], $0x2080  }
0x55: {  	s0 =	simm.s32 @!p2 $0x8  }
0x56: {  	_ =	swait.ge @!p2 [sflag:s0], $0x2080  }
0x57: {  	[sflag:s0] =	ssyncset.done @!p2 $0x0  }
0x58: {  	[sflag:s0] =	ssyncadd.s32 @!p2 $0xFFFFDF80;
	s0 =	rddreg [dreg:$0x7]  }
0x59: {  	s5 =	sshrl.u32 @!p3 s0, $0x3;
	s0 =	rddreg [dreg:$0xa]  }
0x5a: {  	[dreg:$0x16] =	wrdreg s5  }
0x5b: {  	[spmem:s5], [sflag:s13] =	dma.local @!p3 [hbm:s0], $0x2780  }
0x5c: {  	s0 =	simm.s32 @!p3 $0x8  }
0x5d: {  	_ =	swait.ge @!p3 [sflag:s0], $0x2780  }
0x5e: {  	[sflag:s0] =	ssyncset.done @!p3 $0x0  }
0x5f: {  	[sflag:s0] =	ssyncadd.s32 @!p3 $0xFFFFD880  }
0x60: {  	s10 =	simm.s32 $0x8;
	[bflag:$0x0] =	sbarrier.arrive $0xFFFF  }
.Ltmp2:
0x61: {  	s5 =	simm.s32 $0x0;
	s7 =	rddreg [dreg:$0xc];
	(pc) =	sbr.rel .LBB2_2-.Ltmp2, $4  }
0x62: {  	[tilespmem:s5], [sflag:$0x8] =	stream.linear.gather [hbm4b:s7+s5], $0x800, $0x38;
	[tilespmem:$0x1FCC0] =	vst v63  }
0x63: {  	_ =	swait.ge [sflag:s10], $0x800  }
0x64: {  	[sflag:s10] =	ssyncset.done $0x0  }
0x65: {  	s0 =	simm.s32 $0x0;
	s5 =	rddreg [dreg:$0x12];
	[sflag:s10] =	ssyncadd.s32 $0xFFFFF800  }
.LBB2_4:
0x66: {  	_ =	swait.ge [sflag:s24], $0x3C00  }
0x67: {  	[sflag:s24] =	ssyncset.done $0x0  }
0x68: {  	[sflag:s24] =	ssyncadd.s32 $0xFFFFC400  }
0x69: {  	_ =	swait.ge [sflag:s25], $0x3C00  }
0x6a: {  	[sflag:s25] =	ssyncset.done $0x0  }
0x6b: {  	[sflag:s25] =	ssyncadd.s32 $0xFFFFC400  }
0x6c: {  	_ =	swait.ge [sflag:s26], $0x3C00  }
0x6d: {  	[sflag:s26] =	ssyncset.done $0x0  }
0x6e: {  	[sflag:s26] =	ssyncadd.s32 $0xFFFFC400  }
0x6f: {  	p4 =	seq.s32 s0, $0xA;
	_ =	swait.ge [sflag:s28], $0x800  }
0x70: {  	s7 =	sshrl.u32 @!p4 s5, $0x3;
	[sflag:s28] =	ssyncset.done $0x0  }
0x71: {  	s10 =	simm.s32 @!p4 $0x0;
	s7 =	sadd.s32 @!p4 s2, s7;
	[sflag:s28] =	ssyncadd.s32 $0xFFFFF800  }
0x72: {  	[tilespmem:s10], [sflag:$0x7] =	stream.linear.gather @!p4 [hbm4b:s7+s10], $0x800, $0x38;
	[tilespmem:$0x1FCC0] =	vst v63  }
0x73: {  	_ = 	snop  }
0x74: {  	[tilespmem:s31], [sflag:$0x1] =	stream.indirect.gather [hbm4b:s1+s29], $0x80, s30, s29, $0xb8;
	[tilespmem:$0x1FCC0] =	vst v63  }
0x75: {  	_ = 	snop  }
0x76: {  	[tilespmem:s4], [sflag:$0x2] =	stream.indirect.gather [hbm4b:s1+s29], $0x80, s15, s29, $0xb8;
	[tilespmem:$0x1FCC0] =	vst v63  }
0x77: {  	s10 =	simm.s32 $0xA00  }
0x78: {  	[tilespmem:s8], [sflag:$0x3] =	stream.indirect.gather [hbm4b:s1+s29], $0x80, s10, s29, $0xb8;
	[tilespmem:$0x1FCC0] =	vst v63  }
0x79: {  	_ =	swait.ge [sflag:s9], $0x3C00  }
0x7a: {  	[sflag:s9] =	ssyncset.done $0x0  }
0x7b: {  	s10 =	simm.s32 $0x880;
	[sflag:s9] =	ssyncadd.s32 $0xFFFFC400  }
0x7c: {  	[spmem:s3] =	stream.indirect.scatter.add.f32 [tilespmem:s31], [sflag:$0x4], $0x80, s10, s29, $0xb8;
	[tilespmem:$0x1FCC0] =	vst v63  }
0x7d: {  	_ =	swait.ge [sflag:s24], $0x3C00  }
0x7e: {  	[sflag:s24] =	ssyncset.done $0x0  }
0x7f: {  	s10 =	simm.s32 $0xB00;
	[sflag:s24] =	ssyncadd.s32 $0xFFFFC400  }
0x80: {  	[tilespmem:s31], [sflag:$0x1] =	stream.indirect.gather [hbm4b:s1+s29], $0x80, s10, s29, $0xb8;
	[tilespmem:$0x1FCC0] =	vst v63  }
0x81: {  	_ =	swait.ge [sflag:s12], $0x3C00  }
0x82: {  	[sflag:s12] =	ssyncset.done $0x0  }
0x83: {  	s10 =	simm.s32 $0x980;
	[sflag:s12] =	ssyncadd.s32 $0xFFFFC400  }
0x84: {  	[spmem:s3] =	stream.indirect.scatter.add.f32 [tilespmem:s4], [sflag:$0x5], $0x80, s10, s29, $0xb8;
	[tilespmem:$0x1FCC0] =	vst v63  }
0x85: {  	_ =	swait.ge [sflag:s25], $0x3C00  }
0x86: {  	[sflag:s25] =	ssyncset.done $0x0  }
0x87: {  	s10 =	simm.s32 $0xC00;
	[sflag:s25] =	ssyncadd.s32 $0xFFFFC400  }
0x88: {  	[tilespmem:s4], [sflag:$0x2] =	stream.indirect.gather [hbm4b:s1+s29], $0x80, s10, s29, $0xb8;
	[tilespmem:$0x1FCC0] =	vst v63  }
0x89: {  	_ =	swait.ge [sflag:s14], $0x3C00  }
0x8a: {  	[sflag:s14] =	ssyncset.done $0x0  }
0x8b: {  	s10 =	simm.s32 $0xA80;
	[sflag:s14] =	ssyncadd.s32 $0xFFFFC400  }
0x8c: {  	[spmem:s3] =	stream.indirect.scatter.add.f32 [tilespmem:s8], [sflag:$0x6], $0x80, s10, s29, $0xb8;
	[tilespmem:$0x1FCC0] =	vst v63  }
0x8d: {  	_ =	swait.ge [sflag:s26], $0x3C00  }
0x8e: {  	[sflag:s26] =	ssyncset.done $0x0  }
0x8f: {  	[sflag:s26] =	ssyncadd.s32 $0xFFFFC400  }
0x90: {  	[tilespmem:s8], [sflag:$0x3] =	stream.indirect.gather [hbm4b:s1+s29], $0x80, s16, s29, $0xb8;
	[tilespmem:$0x1FCC0] =	vst v63  }
0x91: {  	_ =	swait.ge [sflag:s9], $0x3C00  }
0x92: {  	[sflag:s9] =	ssyncset.done $0x0  }
0x93: {  	[sflag:s9] =	ssyncadd.s32 $0xFFFFC400  }
0x94: {  	[spmem:s3] =	stream.indirect.scatter.add.f32 [tilespmem:s31], [sflag:$0x4], $0x80, s17, s29, $0xb8;
	[tilespmem:$0x1FCC0] =	vst v63  }
0x95: {  	_ =	swait.ge [sflag:s24], $0x3C00  }
0x96: {  	[sflag:s24] =	ssyncset.done $0x0  }
0x97: {  	[sflag:s24] =	ssyncadd.s32 $0xFFFFC400  }
0x98: {  	[tilespmem:s31], [sflag:$0x1] =	stream.indirect.gather [hbm4b:s1+s29], $0x80, s23, s29, $0xb8;
	[tilespmem:$0x1FCC0] =	vst v63  }
0x99: {  	_ =	swait.ge [sflag:s12], $0x3C00  }
0x9a: {  	[sflag:s12] =	ssyncset.done $0x0  }
0x9b: {  	[sflag:s12] =	ssyncadd.s32 $0xFFFFC400  }
0x9c: {  	[spmem:s3] =	stream.indirect.scatter.add.f32 [tilespmem:s4], [sflag:$0x5], $0x80, s18, s29, $0xb8;
	[tilespmem:$0x1FCC0] =	vst v63  }
0x9d: {  	_ =	swait.ge [sflag:s25], $0x3C00  }
0x9e: {  	[sflag:s25] =	ssyncset.done $0x0  }
0x9f: {  	[sflag:s25] =	ssyncadd.s32 $0xFFFFC400  }
0xa0: {  	[tilespmem:s4], [sflag:$0x2] =	stream.indirect.gather [hbm4b:s1+s29], $0x80, s19, s29, $0xb8;
	[tilespmem:$0x1FCC0] =	vst v63  }
0xa1: {  	_ =	swait.ge [sflag:s14], $0x3C00  }
0xa2: {  	[sflag:s14] =	ssyncset.done $0x0  }
0xa3: {  	[sflag:s14] =	ssyncadd.s32 $0xFFFFC400  }
0xa4: {  	[spmem:s3] =	stream.indirect.scatter.add.f32 [tilespmem:s8], [sflag:$0x6], $0x80, s20, s29, $0xb8;
	[tilespmem:$0x1FCC0] =	vst v63  }
0xa5: {  	_ =	swait.ge [sflag:s9], $0x3C00  }
0xa6: {  	[sflag:s9] =	ssyncset.done $0x0  }
0xa7: {  	[sflag:s9] =	ssyncadd.s32 $0xFFFFC400  }
0xa8: {  	[spmem:s3] =	stream.indirect.scatter.add.f32 [tilespmem:s31], [sflag:$0x4], $0x80, s21, s29, $0xb8;
	[tilespmem:$0x1FCC0] =	vst v63  }
0xa9: {  	_ =	swait.ge [sflag:s12], $0x3C00  }
0xaa: {  	[sflag:s12] =	ssyncset.done $0x0  }
0xab: {  	[sflag:s12] =	ssyncadd.s32 $0xFFFFC400  }
0xac: {  	[spmem:s3] =	stream.indirect.scatter.add.f32 [tilespmem:s4], [sflag:$0x5], $0x80, s22, s29, $0xb8;
	[tilespmem:$0x1FCC0] =	vst v63  }
.LBB2_5:
0xad: {  	s0 =	sadd.s32 $0x1, s0  }
0xae: {  	p4 =	sne.s32 s0, $0xB  }
.Ltmp3:
0xaf: {  	_ = 	snop;
	(pc) =	sbr.rel @!p4 .LBB2_6-.Ltmp3, $2  }
0xb0: {  	_ =	sdelay $0x2  }
0xb1: {  	s5 =	sadd.s32 $0x800, s5  }
.LBB2_2:
0xb2: {  	s7 =	sand.u32 $0x1, s0  }
0xb3: {  	p4 =	seq.s32 s7, $0x1  }
.Ltmp4:
0xb4: {  	_ = 	snop;
	(pc) =	sbr.rel @p4 .LBB2_4-.Ltmp4, $1  }
0xb5: {  	_ =	sdelay $0x3  }
0xb6: {  	p4 =	seq.s32 s0, $0x0  }
0xb7: {  	s10 =	simm.s32 @!p4 $0x4  }
0xb8: {  	_ =	swait.ge @!p4 [sflag:s10], $0x3C00  }
0xb9: {  	[sflag:s10] =	ssyncset.done @!p4 $0x0  }
0xba: {  	[sflag:s10] =	ssyncadd.s32 @!p4 $0xFFFFC400;
	s10 =	simm.s32 @!p4 $0x5  }
0xbb: {  	_ =	swait.ge @!p4 [sflag:s10], $0x3C00  }
0xbc: {  	[sflag:s10] =	ssyncset.done @!p4 $0x0  }
0xbd: {  	[sflag:s10] =	ssyncadd.s32 @!p4 $0xFFFFC400;
	s10 =	simm.s32 @!p4 $0x6  }
0xbe: {  	_ =	swait.ge @!p4 [sflag:s10], $0x3C00  }
0xbf: {  	[sflag:s10] =	ssyncset.done @!p4 $0x0  }
0xc0: {  	p5 =	seq.s32 @!p4 s0, $0xA;
	[sflag:s10] =	ssyncadd.s32 @!p4 $0xFFFFC400;
	s10 =	simm.s32 @!p4 $0x7  }
0xc1: {  	p5 =	por p4, !p5;
	_ =	swait.ge @!p4 [sflag:s10], $0x800  }
0xc2: {  	s15 =	smov.u32 @p5 s13;
	[sflag:s10] =	ssyncset.done @!p4 $0x0  }
0xc3: {  	s13 =	smov.u32 @p5 s6;
	[sflag:s10] =	ssyncadd.s32 @!p4 $0xFFFFF800;
	s10 =	sshrl.u32 @p5 s5, $0x3  }
0xc4: {  	s6 =	smov.u32 @p5 s11;
	s11 =	simm.s32 @p5 $0x0;
	s10 =	sadd.s32 @p5 s2, s10  }
0xc5: {  	[tilespmem:s30], [sflag:$0x7] =	stream.linear.gather @p5 [hbm4b:s10+s11], $0x800, $0x38;
	[tilespmem:$0x1FCC0] =	vst v63  }
0xc6: {  	s10 =	simm.s32 $0x0  }
0xc7: {  	[tilespmem:s31], [sflag:$0x1] =	stream.indirect.gather [hbm4b:s1+s29], $0x80, s10, s29, $0xb8;
	[tilespmem:$0x1FCC0] =	vst v63  }
0xc8: {  	s10 =	simm.s32 $0x100  }
0xc9: {  	[tilespmem:s4], [sflag:$0x2] =	stream.indirect.gather [hbm4b:s1+s29], $0x80, s10, s29, $0xb8;
	[tilespmem:$0x1FCC0] =	vst v63  }
0xca: {  	s10 =	simm.s32 $0x200  }
0xcb: {  	[tilespmem:s8], [sflag:$0x3] =	stream.indirect.gather [hbm4b:s1+s29], $0x80, s10, s29, $0xb8;
	[tilespmem:$0x1FCC0] =	vst v63  }
0xcc: {  	_ =	swait.ge [sflag:s9], $0x3C00  }
0xcd: {  	[sflag:s9] =	ssyncset.done $0x0  }
0xce: {  	s10 =	simm.s32 $0x80;
	[sflag:s9] =	ssyncadd.s32 $0xFFFFC400  }
0xcf: {  	[spmem:s3] =	stream.indirect.scatter.add.f32 [tilespmem:s31], [sflag:$0x4], $0x80, s10, s29, $0xb8;
	[tilespmem:$0x1FCC0] =	vst v63  }
0xd0: {  	_ =	swait.ge [sflag:s24], $0x3C00  }
0xd1: {  	[sflag:s24] =	ssyncset.done $0x0  }
0xd2: {  	s10 =	simm.s32 $0x300;
	[sflag:s24] =	ssyncadd.s32 $0xFFFFC400  }
0xd3: {  	[tilespmem:s31], [sflag:$0x1] =	stream.indirect.gather [hbm4b:s1+s29], $0x80, s10, s29, $0xb8;
	[tilespmem:$0x1FCC0] =	vst v63  }
0xd4: {  	_ =	swait.ge [sflag:s12], $0x3C00  }
0xd5: {  	[sflag:s12] =	ssyncset.done $0x0  }
0xd6: {  	s10 =	simm.s32 $0x180;
	[sflag:s12] =	ssyncadd.s32 $0xFFFFC400  }
0xd7: {  	[spmem:s3] =	stream.indirect.scatter.add.f32 [tilespmem:s4], [sflag:$0x5], $0x80, s10, s29, $0xb8;
	[tilespmem:$0x1FCC0] =	vst v63  }
0xd8: {  	_ =	swait.ge [sflag:s25], $0x3C00  }
0xd9: {  	[sflag:s25] =	ssyncset.done $0x0  }
0xda: {  	s10 =	simm.s32 $0x400;
	[sflag:s25] =	ssyncadd.s32 $0xFFFFC400  }
0xdb: {  	[tilespmem:s4], [sflag:$0x2] =	stream.indirect.gather [hbm4b:s1+s29], $0x80, s10, s29, $0xb8;
	[tilespmem:$0x1FCC0] =	vst v63  }
0xdc: {  	_ =	swait.ge [sflag:s14], $0x3C00  }
0xdd: {  	[sflag:s14] =	ssyncset.done $0x0  }
0xde: {  	s10 =	simm.s32 $0x280;
	[sflag:s14] =	ssyncadd.s32 $0xFFFFC400  }
0xdf: {  	[spmem:s3] =	stream.indirect.scatter.add.f32 [tilespmem:s8], [sflag:$0x6], $0x80, s10, s29, $0xb8;
	[tilespmem:$0x1FCC0] =	vst v63  }
0xe0: {  	_ =	swait.ge [sflag:s26], $0x3C00  }
0xe1: {  	[sflag:s26] =	ssyncset.done $0x0  }
0xe2: {  	s10 =	simm.s32 $0x500;
	[sflag:s26] =	ssyncadd.s32 $0xFFFFC400  }
0xe3: {  	[tilespmem:s8], [sflag:$0x3] =	stream.indirect.gather [hbm4b:s1+s29], $0x80, s10, s29, $0xb8;
	[tilespmem:$0x1FCC0] =	vst v63  }
0xe4: {  	_ =	swait.ge [sflag:s9], $0x3C00  }
0xe5: {  	[sflag:s9] =	ssyncset.done $0x0  }
0xe6: {  	s10 =	simm.s32 $0x380;
	[sflag:s9] =	ssyncadd.s32 $0xFFFFC400  }
0xe7: {  	[spmem:s3] =	stream.indirect.scatter.add.f32 [tilespmem:s31], [sflag:$0x4], $0x80, s10, s29, $0xb8;
	[tilespmem:$0x1FCC0] =	vst v63  }
0xe8: {  	_ =	swait.ge [sflag:s24], $0x3C00  }
0xe9: {  	[sflag:s24] =	ssyncset.done $0x0  }
0xea: {  	s10 =	simm.s32 $0x600;
	[sflag:s24] =	ssyncadd.s32 $0xFFFFC400  }
0xeb: {  	[tilespmem:s31], [sflag:$0x1] =	stream.indirect.gather [hbm4b:s1+s29], $0x80, s10, s29, $0xb8;
	[tilespmem:$0x1FCC0] =	vst v63  }
0xec: {  	_ =	swait.ge [sflag:s12], $0x3C00  }
0xed: {  	[sflag:s12] =	ssyncset.done $0x0  }
0xee: {  	s10 =	simm.s32 $0x480;
	[sflag:s12] =	ssyncadd.s32 $0xFFFFC400  }
0xef: {  	[spmem:s3] =	stream.indirect.scatter.add.f32 [tilespmem:s4], [sflag:$0x5], $0x80, s10, s29, $0xb8;
	[tilespmem:$0x1FCC0] =	vst v63  }
0xf0: {  	_ =	swait.ge [sflag:s25], $0x3C00  }
0xf1: {  	[sflag:s25] =	ssyncset.done $0x0  }
0xf2: {  	s10 =	simm.s32 $0x700;
	[sflag:s25] =	ssyncadd.s32 $0xFFFFC400  }
0xf3: {  	[tilespmem:s4], [sflag:$0x2] =	stream.indirect.gather [hbm4b:s1+s29], $0x80, s10, s29, $0xb8;
	[tilespmem:$0x1FCC0] =	vst v63  }
0xf4: {  	_ =	swait.ge [sflag:s14], $0x3C00  }
0xf5: {  	[sflag:s14] =	ssyncset.done $0x0  }
0xf6: {  	s10 =	simm.s32 $0x580;
	[sflag:s14] =	ssyncadd.s32 $0xFFFFC400  }
0xf7: {  	[spmem:s3] =	stream.indirect.scatter.add.f32 [tilespmem:s8], [sflag:$0x6], $0x80, s10, s29, $0xb8;
	[tilespmem:$0x1FCC0] =	vst v63  }
0xf8: {  	_ =	swait.ge [sflag:s9], $0x3C00  }
0xf9: {  	[sflag:s9] =	ssyncset.done $0x0  }
0xfa: {  	p4 =	seq.s32 s7, $0x0;
	s10 =	simm.s32 $0x680;
	[sflag:s9] =	ssyncadd.s32 $0xFFFFC400  }
0xfb: {  	[spmem:s3] =	stream.indirect.scatter.add.f32 [tilespmem:s31], [sflag:$0x4], $0x80, s10, s29, $0xb8;
	[tilespmem:$0x1FCC0] =	vst v63  }
.Ltmp5:
0xfc: {  	_ = 	snop;
	(pc) =	sbr.rel @p4 .LBB2_5-.Ltmp5, $4  }
.Ltmp6:
0xfd: {  	s11 =	smov.u32 @p5 s6;
	_ =	swait.ge [sflag:s12], $0x3C00;
	(pc) =	sbr.rel @!p4 .LBB2_4-.Ltmp6, $4  }
0xfe: {  	s6 =	smov.u32 @p5 s13;
	s13 =	smov.u32 @p5 s15;
	[sflag:s12] =	ssyncset.done $0x0  }
0xff: {  	s15 =	simm.s32 @p5 $0x900;
	s10 =	simm.s32 $0x780;
	[sflag:s12] =	ssyncadd.s32 $0xFFFFC400  }
0x100: {  	[spmem:s3] =	stream.indirect.scatter.add.f32 [tilespmem:s4], [sflag:$0x5], $0x80, s10, s29, $0xb8;
	[tilespmem:$0x1FCC0] =	vst v63  }
0x101: {  	_ = 	snop  }
.LBB2_7:
0x102: {  	_ =	sfence.sel $0x180000  }
0x103: {  	[bflag:$0x0] =	sbarrier.arrive $0xFFFF  }
0x104: {  	_ =	strace $0x90000047  }
0x105: {  	s0 =	stileid.u32;
	[bflag:$0x2] =	sbarrier.arrive $0xFFFF  }
0x106: {  	p0 =	sne.s32 s0, $0x0;
	s0 =	rddreg [dreg:$0x6]  }
0x107: {  	s0 =	sadd.s32 @!p0 $0x100000, s0  }
0x108: {  	[sflag:s0] =	ssyncadd.tile.s32 @!p0 $0x1;
	_ =	shalt  }
.Lfunc_end2:
_tile_overlayer_lowered:
.L_overlay_start_2:
0x109: {  	(tag) =	ssettag $0x2  }
0x10a: {  	s0 =	rddreg [dreg:$0x0];
	s2 =	stileid.u32  }
0x10b: {  	s1 =	rddreg [dreg:$0x1];
	p0 =	sne.s32 s2, $0x0  }
0x10c: {  	s3 =	rddreg [dreg:$0x2];
	[bflag:$0x3] =	sbarrier.arrive $0xFFFF;
	s2 =	simm.s32 @!p0 $0x1C08  }
0x10d: {  	[timem:s3], [sflag:s2] =	dma.local @!p0 [hbm:s0], s1  }
0x10e: {  	s0 =	simm.s32 @!p0 $0x8  }
0x10f: {  	_ =	swait.ge @!p0 [sflag:s0], s1  }
0x110: {  	s1 =	ssub.s32 @!p0 $0x0, s1;
	[sflag:s0] =	ssyncset.done @!p0 $0x0  }
0x111: {  	[sflag:s0] =	ssyncadd.s32 @!p0 s1  }
0x112: {  	[bflag:$0x3] =	sbarrier.arrive $0xFFFF  }
0x113: {  	_ =	shalt  }

</sc_bundles>
